<compile_context>
chip_gen: v7x
topology: tpu7x:2x2x1
jax: 0.10.2.dev20260603
libtpu: 0.0.44.dev20260713+nightly
codegen_flags: <defaults>
</compile_context>

<pallas_src>
import jax
import jax.numpy as jnp
from jax import lax
from jax.experimental import pallas as pl
from jax.experimental.pallas import tpu as pltpu
from jax.experimental.pallas import tpu_sc as plsc

B, T = 4096, 50
D = 128
NC, NS = 2, 16
NW = NC * NS
BW = B // NW
NBUF = 5
NGROUP = T // NBUF


def _emb_body(idx_hbm, table_hbm, out_hbm, idx_v, bufs, sem_g, sem_s):
    wid = lax.axis_index("s") * NC + lax.axis_index("c")
    b0 = wid * BW

    pltpu.sync_copy(idx_hbm.at[:, pl.ds(b0, BW)], idx_v)

    def gather(t, j):
        pltpu.async_copy(table_hbm.at[idx_v.at[t]], bufs.at[j], sem_g.at[j])

    def scatter(t, j):
        pltpu.async_copy(bufs.at[j], out_hbm.at[t, pl.ds(b0, BW)], sem_s.at[j])

    def wait_g(j):
        pltpu.make_async_copy(out_hbm.at[0, pl.ds(0, BW)], bufs.at[j],
                              sem_g.at[j]).wait()

    def wait_s(j):
        pltpu.make_async_copy(bufs.at[j], out_hbm.at[0, pl.ds(0, BW)],
                              sem_s.at[j]).wait()

    for j in range(NBUF):
        gather(j, j)

    def body(g, carry):
        t = g * NBUF
        for j in range(NBUF):
            wait_g(j)
            scatter(t + j, j)
        for j in range(NBUF):
            wait_s(j)
            gather(t + NBUF + j, j)
        return carry

    lax.fori_loop(0, NGROUP - 1, body, 0)

    t = T - NBUF
    for j in range(NBUF):
        wait_g(j)
        scatter(t + j, j)
    for j in range(NBUF):
        wait_s(j)


def _embedding_lookup(idx_t, weights):
    mesh = plsc.VectorSubcoreMesh(core_axis_name="c", subcore_axis_name="s")
    k = pl.kernel(
        _emb_body,
        mesh=mesh,
        out_type=jax.ShapeDtypeStruct((T, B, D), jnp.float32),
        scratch_types=[
            pltpu.VMEM((T, BW), jnp.int32),
            pltpu.VMEM((NBUF, BW, D), jnp.float32),
            pltpu.SemaphoreType.DMA((NBUF,)),
            pltpu.SemaphoreType.DMA((NBUF,)),
        ],
        compiler_params=pltpu.CompilerParams(use_tc_tiling_on_sc=True),
    )
    return k(idx_t, weights)


def kernel(token_ids, weights):
    ids_t = token_ids.astype(jnp.int32).T
    out_t = _embedding_lookup(ids_t, weights)
    return jnp.transpose(out_t, (1, 0, 2))

# --- scband reference (transcript-rebuilt; emitter-appended) ---
"""Pipeline reference for scband-embedding-20942260535867 (READ-ONLY COPY).

The authoritative reference and input builder live on the scoring server;
editing this copy changes nothing except your own understanding.
"""

import jax, jax.numpy as jnp
import numpy as np

NUM_EMBEDDINGS = 100000
EMBEDDING_DIM = 128

def setup_inputs(seed: int = 0) -> dict:
    key = jax.random.key(seed)
    k1, k2 = jax.random.split(key)
    token_ids = jax.random.randint(k1, (4096, 50), 0, NUM_EMBEDDINGS, dtype=jnp.int64 if jax.config.jax_enable_x64 else jnp.int32)
    # truncated normal init, std=1, a=-3, b=3 (matches nn.init.trunc_normal_)
    weights = jax.random.truncated_normal(k2, -3.0, 3.0, (NUM_EMBEDDINGS, EMBEDDING_DIM), dtype=jnp.float32)
    return {"token_ids": token_ids, "weights": weights}

def reference(token_ids, weights):
    # Embedding lookup: weights[token_ids]
    return jnp.take(weights, token_ids, axis=0)

if __name__ == "__main__":
    import jax
    _d = setup_inputs()
    print(jax.jit(kernel)(*tuple(_d.values())))

</pallas_src>

<mosaic_0001>
#map = affine_map<(d0, d1) -> (0, 0)>
#map1 = affine_map<(d0, d1) -> (0, 0, 0)>
module attributes {stable_mosaic.version = 14 : i64} {
  func.func @_emb_body(%arg0: i32, %arg1: i32, %arg2: memref<50x4096xi32, #tpu.memory_space<hbm>>, %arg3: memref<100000x128xf32, #tpu.memory_space<hbm>>, %arg4: memref<50x4096x128xf32, #tpu.memory_space<hbm>>, %arg5: memref<50x128xi32, #tpu.memory_space<vmem>>, %arg6: memref<5x128x128xf32, #tpu.memory_space<vmem>>, %arg7: memref<5x!tpu.dma_semaphore, #tpu.memory_space<semaphore_mem>>, %arg8: memref<5x!tpu.dma_semaphore, #tpu.memory_space<semaphore_mem>>) attributes {dimension_semantics = [#tpu.dimension_semantics<core_parallel>, #tpu.dimension_semantics<subcore_parallel>], iteration_bounds = array<i64: 2, 16>, scalar_prefetch = 0 : i64, scratch_operands = 4 : i64, tpu.core_type = #tpu.core_type<sc_vector_subcore>, window_params = [{transform_indices = #map}, {transform_indices = #map}, {transform_indices = #map1}]} {
    %mul3A = arith.constant 2 : i32
    %mul3A_0 = arith.muli %arg1, %mul3A : i32
    %add3A = arith.addi %mul3A_0, %arg0 : i32
    %mul3A_1 = arith.constant 128 : i32
    %mul3A_2 = arith.muli %add3A, %mul3A_1 : i32
    "tpu.region"() ({
      %run_scoped3A = tpu.sem_alloc : memref<!tpu.dma_semaphore, #tpu.memory_space<semaphore_mem>>
      %dma_start3A_386 = arith.constant 0 : i32
      %dma_start3A_387 = tpu.memref_slice %arg2[%dma_start3A_386, %mul3A_2] : memref<50x4096xi32, #tpu.memory_space<hbm>> -> memref<50x128xi32, #tpu.memory_space<hbm>>
      %dma_start3A_388 = arith.constant 0 : i32
      %dma_start3A_389 = tpu.memref_slice %arg2[%dma_start3A_388, %mul3A_2] : memref<50x4096xi32, #tpu.memory_space<hbm>> -> memref<50x128xi32, #tpu.memory_space<hbm>>
      tpu.enqueue_dma source(%dma_start3A_389 : memref<50x128xi32, #tpu.memory_space<hbm>>) target(%arg5 : memref<50x128xi32, #tpu.memory_space<vmem>>) target_semaphore(%run_scoped3A : memref<!tpu.dma_semaphore, #tpu.memory_space<semaphore_mem>>)
      %dma_wait3A_390 = arith.constant 0 : i32
      %dma_wait3A_391 = tpu.memref_slice %arg2[%dma_wait3A_390, %mul3A_2] : memref<50x4096xi32, #tpu.memory_space<hbm>> -> memref<50x128xi32, #tpu.memory_space<hbm>>
      %dma_wait3A_392 = arith.constant 0 : i32
      %dma_wait3A_393 = tpu.memref_slice %arg2[%dma_wait3A_392, %mul3A_2] : memref<50x4096xi32, #tpu.memory_space<hbm>> -> memref<50x128xi32, #tpu.memory_space<hbm>>
      tpu.wait_dma2 semaphore(%run_scoped3A : memref<!tpu.dma_semaphore, #tpu.memory_space<semaphore_mem>>) src(%dma_wait3A_393 : memref<50x128xi32, #tpu.memory_space<hbm>>) dst(%arg5 : memref<50x128xi32, #tpu.memory_space<vmem>>)
      tpu.yield
    }) : () -> ()
    %dma_start3A = arith.constant 0 : i32
    %dma_start3A_3 = arith.constant 0 : i32
    %dma_start3A_4 = arith.constant 0 : i32
    %dma_start3A_5 = arith.constant 0 : i32
    %dma_start3A_6 = arith.constant 0 : i32
    %dma_start3A_7 = tpu.memref_slice %arg6[%dma_start3A_3, %dma_start3A_5, %dma_start3A_6] : memref<5x128x128xf32, #tpu.memory_space<vmem>> -> memref<1x128x128xf32, #tpu.memory_space<vmem>>
    %dma_start3A_8 = tpu.memref_squeeze %dma_start3A_7 : memref<1x128x128xf32, #tpu.memory_space<vmem>> -> memref<128x128xf32, #tpu.memory_space<vmem>>
    %dma_start3A_9 = arith.constant 0 : i32
    %dma_start3A_10 = tpu.memref_slice %arg5[%dma_start3A, %dma_start3A_9] : memref<50x128xi32, #tpu.memory_space<vmem>> -> memref<1x128xi32, #tpu.memory_space<vmem>>
    %dma_start3A_11 = tpu.memref_squeeze %dma_start3A_10 : memref<1x128xi32, #tpu.memory_space<vmem>> -> memref<128xi32, #tpu.memory_space<vmem>>
    %dma_start3A_12 = arith.constant 0 : i32
    %dma_start3A_13 = arith.constant 0 : i32
    %dma_start3A_14 = tpu.memref_slice %arg3[%dma_start3A_12, %dma_start3A_13] : memref<100000x128xf32, #tpu.memory_space<hbm>> -> memref<100000x128xf32, #tpu.memory_space<hbm>>
    %dma_start3A_15 = tpu.memref_slice %arg7[%dma_start3A_4] : memref<5x!tpu.dma_semaphore, #tpu.memory_space<semaphore_mem>> -> memref<1x!tpu.dma_semaphore, #tpu.memory_space<semaphore_mem>>
    %dma_start3A_16 = tpu.memref_squeeze %dma_start3A_15 : memref<1x!tpu.dma_semaphore, #tpu.memory_space<semaphore_mem>> -> memref<!tpu.dma_semaphore, #tpu.memory_space<semaphore_mem>>
    tpu.enqueue_indirect_dma source(%dma_start3A_14 : memref<100000x128xf32, #tpu.memory_space<hbm>>) target(%dma_start3A_8 : memref<128x128xf32, #tpu.memory_space<vmem>>) offsets(%dma_start3A_11 : memref<128xi32, #tpu.memory_space<vmem>>) semaphore(%dma_start3A_16 : memref<!tpu.dma_semaphore, #tpu.memory_space<semaphore_mem>>)
    %dma_start3A_17 = arith.constant 1 : i32
    %dma_start3A_18 = arith.constant 1 : i32
    %dma_start3A_19 = arith.constant 1 : i32
    %dma_start3A_20 = arith.constant 0 : i32
    %dma_start3A_21 = arith.constant 0 : i32
    %dma_start3A_22 = tpu.memref_slice %arg6[%dma_start3A_18, %dma_start3A_20, %dma_start3A_21] : memref<5x128x128xf32, #tpu.memory_space<vmem>> -> memref<1x128x128xf32, #tpu.memory_space<vmem>>
    %dma_start3A_23 = tpu.memref_squeeze %dma_start3A_22 : memref<1x128x128xf32, #tpu.memory_space<vmem>> -> memref<128x128xf32, #tpu.memory_space<vmem>>
    %dma_start3A_24 = arith.constant 0 : i32
    %dma_start3A_25 = tpu.memref_slice %arg5[%dma_start3A_17, %dma_start3A_24] : memref<50x128xi32, #tpu.memory_space<vmem>> -> memref<1x128xi32, #tpu.memory_space<vmem>>
    %dma_start3A_26 = tpu.memref_squeeze %dma_start3A_25 : memref<1x128xi32, #tpu.memory_space<vmem>> -> memref<128xi32, #tpu.memory_space<vmem>>
    %dma_start3A_27 = arith.constant 0 : i32
    %dma_start3A_28 = arith.constant 0 : i32
    %dma_start3A_29 = tpu.memref_slice %arg3[%dma_start3A_27, %dma_start3A_28] : memref<100000x128xf32, #tpu.memory_space<hbm>> -> memref<100000x128xf32, #tpu.memory_space<hbm>>
    %dma_start3A_30 = tpu.memref_slice %arg7[%dma_start3A_19] : memref<5x!tpu.dma_semaphore, #tpu.memory_space<semaphore_mem>> -> memref<1x!tpu.dma_semaphore, #tpu.memory_space<semaphore_mem>>
    %dma_start3A_31 = tpu.memref_squeeze %dma_start3A_30 : memref<1x!tpu.dma_semaphore, #tpu.memory_space<semaphore_mem>> -> memref<!tpu.dma_semaphore, #tpu.memory_space<semaphore_mem>>
    tpu.enqueue_indirect_dma source(%dma_start3A_29 : memref<100000x128xf32, #tpu.memory_space<hbm>>) target(%dma_start3A_23 : memref<128x128xf32, #tpu.memory_space<vmem>>) offsets(%dma_start3A_26 : memref<128xi32, #tpu.memory_space<vmem>>) semaphore(%dma_start3A_31 : memref<!tpu.dma_semaphore, #tpu.memory_space<semaphore_mem>>)
    %dma_start3A_32 = arith.constant 2 : i32
    %dma_start3A_33 = arith.constant 2 : i32
    %dma_start3A_34 = arith.constant 2 : i32
    %dma_start3A_35 = arith.constant 0 : i32
    %dma_start3A_36 = arith.constant 0 : i32
    %dma_start3A_37 = tpu.memref_slice %arg6[%dma_start3A_33, %dma_start3A_35, %dma_start3A_36] : memref<5x128x128xf32, #tpu.memory_space<vmem>> -> memref<1x128x128xf32, #tpu.memory_space<vmem>>
    %dma_start3A_38 = tpu.memref_squeeze %dma_start3A_37 : memref<1x128x128xf32, #tpu.memory_space<vmem>> -> memref<128x128xf32, #tpu.memory_space<vmem>>
    %dma_start3A_39 = arith.constant 0 : i32
    %dma_start3A_40 = tpu.memref_slice %arg5[%dma_start3A_32, %dma_start3A_39] : memref<50x128xi32, #tpu.memory_space<vmem>> -> memref<1x128xi32, #tpu.memory_space<vmem>>
    %dma_start3A_41 = tpu.memref_squeeze %dma_start3A_40 : memref<1x128xi32, #tpu.memory_space<vmem>> -> memref<128xi32, #tpu.memory_space<vmem>>
    %dma_start3A_42 = arith.constant 0 : i32
    %dma_start3A_43 = arith.constant 0 : i32
    %dma_start3A_44 = tpu.memref_slice %arg3[%dma_start3A_42, %dma_start3A_43] : memref<100000x128xf32, #tpu.memory_space<hbm>> -> memref<100000x128xf32, #tpu.memory_space<hbm>>
    %dma_start3A_45 = tpu.memref_slice %arg7[%dma_start3A_34] : memref<5x!tpu.dma_semaphore, #tpu.memory_space<semaphore_mem>> -> memref<1x!tpu.dma_semaphore, #tpu.memory_space<semaphore_mem>>
    %dma_start3A_46 = tpu.memref_squeeze %dma_start3A_45 : memref<1x!tpu.dma_semaphore, #tpu.memory_space<semaphore_mem>> -> memref<!tpu.dma_semaphore, #tpu.memory_space<semaphore_mem>>
    tpu.enqueue_indirect_dma source(%dma_start3A_44 : memref<100000x128xf32, #tpu.memory_space<hbm>>) target(%dma_start3A_38 : memref<128x128xf32, #tpu.memory_space<vmem>>) offsets(%dma_start3A_41 : memref<128xi32, #tpu.memory_space<vmem>>) semaphore(%dma_start3A_46 : memref<!tpu.dma_semaphore, #tpu.memory_space<semaphore_mem>>)
    %dma_start3A_47 = arith.constant 3 : i32
    %dma_start3A_48 = arith.constant 3 : i32
    %dma_start3A_49 = arith.constant 3 : i32
    %dma_start3A_50 = arith.constant 0 : i32
    %dma_start3A_51 = arith.constant 0 : i32
    %dma_start3A_52 = tpu.memref_slice %arg6[%dma_start3A_48, %dma_start3A_50, %dma_start3A_51] : memref<5x128x128xf32, #tpu.memory_space<vmem>> -> memref<1x128x128xf32, #tpu.memory_space<vmem>>
    %dma_start3A_53 = tpu.memref_squeeze %dma_start3A_52 : memref<1x128x128xf32, #tpu.memory_space<vmem>> -> memref<128x128xf32, #tpu.memory_space<vmem>>
    %dma_start3A_54 = arith.constant 0 : i32
    %dma_start3A_55 = tpu.memref_slice %arg5[%dma_start3A_47, %dma_start3A_54] : memref<50x128xi32, #tpu.memory_space<vmem>> -> memref<1x128xi32, #tpu.memory_space<vmem>>
    %dma_start3A_56 = tpu.memref_squeeze %dma_start3A_55 : memref<1x128xi32, #tpu.memory_space<vmem>> -> memref<128xi32, #tpu.memory_space<vmem>>
    %dma_start3A_57 = arith.constant 0 : i32
    %dma_start3A_58 = arith.constant 0 : i32
    %dma_start3A_59 = tpu.memref_slice %arg3[%dma_start3A_57, %dma_start3A_58] : memref<100000x128xf32, #tpu.memory_space<hbm>> -> memref<100000x128xf32, #tpu.memory_space<hbm>>
    %dma_start3A_60 = tpu.memref_slice %arg7[%dma_start3A_49] : memref<5x!tpu.dma_semaphore, #tpu.memory_space<semaphore_mem>> -> memref<1x!tpu.dma_semaphore, #tpu.memory_space<semaphore_mem>>
    %dma_start3A_61 = tpu.memref_squeeze %dma_start3A_60 : memref<1x!tpu.dma_semaphore, #tpu.memory_space<semaphore_mem>> -> memref<!tpu.dma_semaphore, #tpu.memory_space<semaphore_mem>>
    tpu.enqueue_indirect_dma source(%dma_start3A_59 : memref<100000x128xf32, #tpu.memory_space<hbm>>) target(%dma_start3A_53 : memref<128x128xf32, #tpu.memory_space<vmem>>) offsets(%dma_start3A_56 : memref<128xi32, #tpu.memory_space<vmem>>) semaphore(%dma_start3A_61 : memref<!tpu.dma_semaphore, #tpu.memory_space<semaphore_mem>>)
    %dma_start3A_62 = arith.constant 4 : i32
    %dma_start3A_63 = arith.constant 4 : i32
    %dma_start3A_64 = arith.constant 4 : i32
    %dma_start3A_65 = arith.constant 0 : i32
    %dma_start3A_66 = arith.constant 0 : i32
    %dma_start3A_67 = tpu.memref_slice %arg6[%dma_start3A_63, %dma_start3A_65, %dma_start3A_66] : memref<5x128x128xf32, #tpu.memory_space<vmem>> -> memref<1x128x128xf32, #tpu.memory_space<vmem>>
    %dma_start3A_68 = tpu.memref_squeeze %dma_start3A_67 : memref<1x128x128xf32, #tpu.memory_space<vmem>> -> memref<128x128xf32, #tpu.memory_space<vmem>>
    %dma_start3A_69 = arith.constant 0 : i32
    %dma_start3A_70 = tpu.memref_slice %arg5[%dma_start3A_62, %dma_start3A_69] : memref<50x128xi32, #tpu.memory_space<vmem>> -> memref<1x128xi32, #tpu.memory_space<vmem>>
    %dma_start3A_71 = tpu.memref_squeeze %dma_start3A_70 : memref<1x128xi32, #tpu.memory_space<vmem>> -> memref<128xi32, #tpu.memory_space<vmem>>
    %dma_start3A_72 = arith.constant 0 : i32
    %dma_start3A_73 = arith.constant 0 : i32
    %dma_start3A_74 = tpu.memref_slice %arg3[%dma_start3A_72, %dma_start3A_73] : memref<100000x128xf32, #tpu.memory_space<hbm>> -> memref<100000x128xf32, #tpu.memory_space<hbm>>
    %dma_start3A_75 = tpu.memref_slice %arg7[%dma_start3A_64] : memref<5x!tpu.dma_semaphore, #tpu.memory_space<semaphore_mem>> -> memref<1x!tpu.dma_semaphore, #tpu.memory_space<semaphore_mem>>
    %dma_start3A_76 = tpu.memref_squeeze %dma_start3A_75 : memref<1x!tpu.dma_semaphore, #tpu.memory_space<semaphore_mem>> -> memref<!tpu.dma_semaphore, #tpu.memory_space<semaphore_mem>>
    tpu.enqueue_indirect_dma source(%dma_start3A_74 : memref<100000x128xf32, #tpu.memory_space<hbm>>) target(%dma_start3A_68 : memref<128x128xf32, #tpu.memory_space<vmem>>) offsets(%dma_start3A_71 : memref<128xi32, #tpu.memory_space<vmem>>) semaphore(%dma_start3A_76 : memref<!tpu.dma_semaphore, #tpu.memory_space<semaphore_mem>>)
    %scan3A = arith.constant 0 : i32
    %scan3A_77 = arith.constant 0 : i32
    %scan3A_78 = arith.constant 9 : i32
    %scan3A_79 = arith.addi %scan3A_77, %scan3A_78 : i32
    %scan3A_80 = arith.constant 1 : i32
    scf.for %scan3A_386 = %scan3A_77 to %scan3A_79 step %scan3A_80  : i32 {
      %mul3A_387 = arith.constant 5 : i32
      %mul3A_388 = arith.muli %scan3A_386, %mul3A_387 : i32
      %dma_wait3A_389 = arith.constant 0 : i32
      %dma_wait3A_390 = arith.constant 0 : i32
      %dma_wait3A_391 = arith.constant 0 : i32
      %dma_wait3A_392 = arith.constant 0 : i32
      %dma_wait3A_393 = arith.constant 0 : i32
      %dma_wait3A_394 = tpu.memref_slice %arg6[%dma_wait3A_390, %dma_wait3A_392, %dma_wait3A_393] : memref<5x128x128xf32, #tpu.memory_space<vmem>> -> memref<1x128x128xf32, #tpu.memory_space<vmem>>
      %dma_wait3A_395 = tpu.memref_squeeze %dma_wait3A_394 : memref<1x128x128xf32, #tpu.memory_space<vmem>> -> memref<128x128xf32, #tpu.memory_space<vmem>>
      %dma_wait3A_396 = arith.constant 0 : i32
      %dma_wait3A_397 = arith.constant 0 : i32
      %dma_wait3A_398 = tpu.memref_slice %arg4[%dma_wait3A_389, %dma_wait3A_396, %dma_wait3A_397] : memref<50x4096x128xf32, #tpu.memory_space<hbm>> -> memref<1x128x128xf32, #tpu.memory_space<hbm>>
      %dma_wait3A_399 = tpu.memref_squeeze %dma_wait3A_398 : memref<1x128x128xf32, #tpu.memory_space<hbm>> -> memref<128x128xf32, #tpu.memory_space<hbm>>
      %dma_wait3A_400 = tpu.memref_slice %arg7[%dma_wait3A_391] : memref<5x!tpu.dma_semaphore, #tpu.memory_space<semaphore_mem>> -> memref<1x!tpu.dma_semaphore, #tpu.memory_space<semaphore_mem>>
      %dma_wait3A_401 = tpu.memref_squeeze %dma_wait3A_400 : memref<1x!tpu.dma_semaphore, #tpu.memory_space<semaphore_mem>> -> memref<!tpu.dma_semaphore, #tpu.memory_space<semaphore_mem>>
      %dma_wait3A_402 = arith.constant 0 : i32
      %dma_wait3A_403 = arith.constant 0 : i32
      %dma_wait3A_404 = tpu.memref_slice %arg6[%dma_wait3A_390, %dma_wait3A_402, %dma_wait3A_403] : memref<5x128x128xf32, #tpu.memory_space<vmem>> -> memref<1x128x128xf32, #tpu.memory_space<vmem>>
      %dma_wait3A_405 = tpu.memref_squeeze %dma_wait3A_404 : memref<1x128x128xf32, #tpu.memory_space<vmem>> -> memref<128x128xf32, #tpu.memory_space<vmem>>
      %dma_wait3A_406 = arith.constant 0 : i32
      %dma_wait3A_407 = arith.constant 0 : i32
      %dma_wait3A_408 = tpu.memref_slice %arg4[%dma_wait3A_389, %dma_wait3A_406, %dma_wait3A_407] : memref<50x4096x128xf32, #tpu.memory_space<hbm>> -> memref<1x128x128xf32, #tpu.memory_space<hbm>>
      %dma_wait3A_409 = tpu.memref_squeeze %dma_wait3A_408 : memref<1x128x128xf32, #tpu.memory_space<hbm>> -> memref<128x128xf32, #tpu.memory_space<hbm>>
      tpu.wait_dma2 semaphore(%dma_wait3A_401 : memref<!tpu.dma_semaphore, #tpu.memory_space<semaphore_mem>>) src(%dma_wait3A_409 : memref<128x128xf32, #tpu.memory_space<hbm>>) dst(%dma_wait3A_405 : memref<128x128xf32, #tpu.memory_space<vmem>>)
      %add3A_410 = arith.constant 0 : i32
      %add3A_411 = arith.addi %mul3A_388, %add3A_410 : i32
      %dma_start3A_412 = arith.constant 0 : i32
      %dma_start3A_413 = arith.constant 0 : i32
      %dma_start3A_414 = arith.constant 0 : i32
      %dma_start3A_415 = arith.constant 0 : i32
      %dma_start3A_416 = tpu.memref_slice %arg6[%dma_start3A_412, %dma_start3A_414, %dma_start3A_415] : memref<5x128x128xf32, #tpu.memory_space<vmem>> -> memref<1x128x128xf32, #tpu.memory_space<vmem>>
      %dma_start3A_417 = tpu.memref_squeeze %dma_start3A_416 : memref<1x128x128xf32, #tpu.memory_space<vmem>> -> memref<128x128xf32, #tpu.memory_space<vmem>>
      %dma_start3A_418 = arith.constant 0 : i32
      %dma_start3A_419 = tpu.memref_slice %arg4[%add3A_411, %mul3A_2, %dma_start3A_418] : memref<50x4096x128xf32, #tpu.memory_space<hbm>> -> memref<1x128x128xf32, #tpu.memory_space<hbm>>
      %dma_start3A_420 = tpu.memref_squeeze %dma_start3A_419 : memref<1x128x128xf32, #tpu.memory_space<hbm>> -> memref<128x128xf32, #tpu.memory_space<hbm>>
      %dma_start3A_421 = tpu.memref_slice %arg8[%dma_start3A_413] : memref<5x!tpu.dma_semaphore, #tpu.memory_space<semaphore_mem>> -> memref<1x!tpu.dma_semaphore, #tpu.memory_space<semaphore_mem>>
      %dma_start3A_422 = tpu.memref_squeeze %dma_start3A_421 : memref<1x!tpu.dma_semaphore, #tpu.memory_space<semaphore_mem>> -> memref<!tpu.dma_semaphore, #tpu.memory_space<semaphore_mem>>
      %dma_start3A_423 = arith.constant 0 : i32
      %dma_start3A_424 = tpu.memref_slice %arg4[%add3A_411, %mul3A_2, %dma_start3A_423] : memref<50x4096x128xf32, #tpu.memory_space<hbm>> -> memref<1x128x128xf32, #tpu.memory_space<hbm>>
      %dma_start3A_425 = tpu.memref_squeeze %dma_start3A_424 : memref<1x128x128xf32, #tpu.memory_space<hbm>> -> memref<128x128xf32, #tpu.memory_space<hbm>>
      %dma_start3A_426 = arith.constant 0 : i32
      %dma_start3A_427 = arith.constant 0 : i32
      %dma_start3A_428 = tpu.memref_slice %arg6[%dma_start3A_412, %dma_start3A_426, %dma_start3A_427] : memref<5x128x128xf32, #tpu.memory_space<vmem>> -> memref<1x128x128xf32, #tpu.memory_space<vmem>>
      %dma_start3A_429 = tpu.memref_squeeze %dma_start3A_428 : memref<1x128x128xf32, #tpu.memory_space<vmem>> -> memref<128x128xf32, #tpu.memory_space<vmem>>
      tpu.enqueue_dma source(%dma_start3A_429 : memref<128x128xf32, #tpu.memory_space<vmem>>) target(%dma_start3A_425 : memref<128x128xf32, #tpu.memory_space<hbm>>) target_semaphore(%dma_start3A_422 : memref<!tpu.dma_semaphore, #tpu.memory_space<semaphore_mem>>)
      %dma_wait3A_430 = arith.constant 0 : i32
      %dma_wait3A_431 = arith.constant 1 : i32
      %dma_wait3A_432 = arith.constant 1 : i32
      %dma_wait3A_433 = arith.constant 0 : i32
      %dma_wait3A_434 = arith.constant 0 : i32
      %dma_wait3A_435 = tpu.memref_slice %arg6[%dma_wait3A_431, %dma_wait3A_433, %dma_wait3A_434] : memref<5x128x128xf32, #tpu.memory_space<vmem>> -> memref<1x128x128xf32, #tpu.memory_space<vmem>>
      %dma_wait3A_436 = tpu.memref_squeeze %dma_wait3A_435 : memref<1x128x128xf32, #tpu.memory_space<vmem>> -> memref<128x128xf32, #tpu.memory_space<vmem>>
      %dma_wait3A_437 = arith.constant 0 : i32
      %dma_wait3A_438 = arith.constant 0 : i32
      %dma_wait3A_439 = tpu.memref_slice %arg4[%dma_wait3A_430, %dma_wait3A_437, %dma_wait3A_438] : memref<50x4096x128xf32, #tpu.memory_space<hbm>> -> memref<1x128x128xf32, #tpu.memory_space<hbm>>
      %dma_wait3A_440 = tpu.memref_squeeze %dma_wait3A_439 : memref<1x128x128xf32, #tpu.memory_space<hbm>> -> memref<128x128xf32, #tpu.memory_space<hbm>>
      %dma_wait3A_441 = tpu.memref_slice %arg7[%dma_wait3A_432] : memref<5x!tpu.dma_semaphore, #tpu.memory_space<semaphore_mem>> -> memref<1x!tpu.dma_semaphore, #tpu.memory_space<semaphore_mem>>
      %dma_wait3A_442 = tpu.memref_squeeze %dma_wait3A_441 : memref<1x!tpu.dma_semaphore, #tpu.memory_space<semaphore_mem>> -> memref<!tpu.dma_semaphore, #tpu.memory_space<semaphore_mem>>
      %dma_wait3A_443 = arith.constant 0 : i32
      %dma_wait3A_444 = arith.constant 0 : i32
      %dma_wait3A_445 = tpu.memref_slice %arg6[%dma_wait3A_431, %dma_wait3A_443, %dma_wait3A_444] : memref<5x128x128xf32, #tpu.memory_space<vmem>> -> memref<1x128x128xf32, #tpu.memory_space<vmem>>
      %dma_wait3A_446 = tpu.memref_squeeze %dma_wait3A_445 : memref<1x128x128xf32, #tpu.memory_space<vmem>> -> memref<128x128xf32, #tpu.memory_space<vmem>>
      %dma_wait3A_447 = arith.constant 0 : i32
      %dma_wait3A_448 = arith.constant 0 : i32
      %dma_wait3A_449 = tpu.memref_slice %arg4[%dma_wait3A_430, %dma_wait3A_447, %dma_wait3A_448] : memref<50x4096x128xf32, #tpu.memory_space<hbm>> -> memref<1x128x128xf32, #tpu.memory_space<hbm>>
      %dma_wait3A_450 = tpu.memref_squeeze %dma_wait3A_449 : memref<1x128x128xf32, #tpu.memory_space<hbm>> -> memref<128x128xf32, #tpu.memory_space<hbm>>
      tpu.wait_dma2 semaphore(%dma_wait3A_442 : memref<!tpu.dma_semaphore, #tpu.memory_space<semaphore_mem>>) src(%dma_wait3A_450 : memref<128x128xf32, #tpu.memory_space<hbm>>) dst(%dma_wait3A_446 : memref<128x128xf32, #tpu.memory_space<vmem>>)
      %add3A_451 = arith.constant 1 : i32
      %add3A_452 = arith.addi %mul3A_388, %add3A_451 : i32
      %dma_start3A_453 = arith.constant 1 : i32
      %dma_start3A_454 = arith.constant 1 : i32
      %dma_start3A_455 = arith.constant 0 : i32
      %dma_start3A_456 = arith.constant 0 : i32
      %dma_start3A_457 = tpu.memref_slice %arg6[%dma_start3A_453, %dma_start3A_455, %dma_start3A_456] : memref<5x128x128xf32, #tpu.memory_space<vmem>> -> memref<1x128x128xf32, #tpu.memory_space<vmem>>
      %dma_start3A_458 = tpu.memref_squeeze %dma_start3A_457 : memref<1x128x128xf32, #tpu.memory_space<vmem>> -> memref<128x128xf32, #tpu.memory_space<vmem>>
      %dma_start3A_459 = arith.constant 0 : i32
      %dma_start3A_460 = tpu.memref_slice %arg4[%add3A_452, %mul3A_2, %dma_start3A_459] : memref<50x4096x128xf32, #tpu.memory_space<hbm>> -> memref<1x128x128xf32, #tpu.memory_space<hbm>>
      %dma_start3A_461 = tpu.memref_squeeze %dma_start3A_460 : memref<1x128x128xf32, #tpu.memory_space<hbm>> -> memref<128x128xf32, #tpu.memory_space<hbm>>
      %dma_start3A_462 = tpu.memref_slice %arg8[%dma_start3A_454] : memref<5x!tpu.dma_semaphore, #tpu.memory_space<semaphore_mem>> -> memref<1x!tpu.dma_semaphore, #tpu.memory_space<semaphore_mem>>
      %dma_start3A_463 = tpu.memref_squeeze %dma_start3A_462 : memref<1x!tpu.dma_semaphore, #tpu.memory_space<semaphore_mem>> -> memref<!tpu.dma_semaphore, #tpu.memory_space<semaphore_mem>>
      %dma_start3A_464 = arith.constant 0 : i32
      %dma_start3A_465 = tpu.memref_slice %arg4[%add3A_452, %mul3A_2, %dma_start3A_464] : memref<50x4096x128xf32, #tpu.memory_space<hbm>> -> memref<1x128x128xf32, #tpu.memory_space<hbm>>
      %dma_start3A_466 = tpu.memref_squeeze %dma_start3A_465 : memref<1x128x128xf32, #tpu.memory_space<hbm>> -> memref<128x128xf32, #tpu.memory_space<hbm>>
      %dma_start3A_467 = arith.constant 0 : i32
      %dma_start3A_468 = arith.constant 0 : i32
      %dma_start3A_469 = tpu.memref_slice %arg6[%dma_start3A_453, %dma_start3A_467, %dma_start3A_468] : memref<5x128x128xf32, #tpu.memory_space<vmem>> -> memref<1x128x128xf32, #tpu.memory_space<vmem>>
      %dma_start3A_470 = tpu.memref_squeeze %dma_start3A_469 : memref<1x128x128xf32, #tpu.memory_space<vmem>> -> memref<128x128xf32, #tpu.memory_space<vmem>>
      tpu.enqueue_dma source(%dma_start3A_470 : memref<128x128xf32, #tpu.memory_space<vmem>>) target(%dma_start3A_466 : memref<128x128xf32, #tpu.memory_space<hbm>>) target_semaphore(%dma_start3A_463 : memref<!tpu.dma_semaphore, #tpu.memory_space<semaphore_mem>>)
      %dma_wait3A_471 = arith.constant 0 : i32
      %dma_wait3A_472 = arith.constant 2 : i32
      %dma_wait3A_473 = arith.constant 2 : i32
      %dma_wait3A_474 = arith.constant 0 : i32
      %dma_wait3A_475 = arith.constant 0 : i32
      %dma_wait3A_476 = tpu.memref_slice %arg6[%dma_wait3A_472, %dma_wait3A_474, %dma_wait3A_475] : memref<5x128x128xf32, #tpu.memory_space<vmem>> -> memref<1x128x128xf32, #tpu.memory_space<vmem>>
      %dma_wait3A_477 = tpu.memref_squeeze %dma_wait3A_476 : memref<1x128x128xf32, #tpu.memory_space<vmem>> -> memref<128x128xf32, #tpu.memory_space<vmem>>
      %dma_wait3A_478 = arith.constant 0 : i32
      %dma_wait3A_479 = arith.constant 0 : i32
      %dma_wait3A_480 = tpu.memref_slice %arg4[%dma_wait3A_471, %dma_wait3A_478, %dma_wait3A_479] : memref<50x4096x128xf32, #tpu.memory_space<hbm>> -> memref<1x128x128xf32, #tpu.memory_space<hbm>>
      %dma_wait3A_481 = tpu.memref_squeeze %dma_wait3A_480 : memref<1x128x128xf32, #tpu.memory_space<hbm>> -> memref<128x128xf32, #tpu.memory_space<hbm>>
      %dma_wait3A_482 = tpu.memref_slice %arg7[%dma_wait3A_473] : memref<5x!tpu.dma_semaphore, #tpu.memory_space<semaphore_mem>> -> memref<1x!tpu.dma_semaphore, #tpu.memory_space<semaphore_mem>>
      %dma_wait3A_483 = tpu.memref_squeeze %dma_wait3A_482 : memref<1x!tpu.dma_semaphore, #tpu.memory_space<semaphore_mem>> -> memref<!tpu.dma_semaphore, #tpu.memory_space<semaphore_mem>>
      %dma_wait3A_484 = arith.constant 0 : i32
      %dma_wait3A_485 = arith.constant 0 : i32
      %dma_wait3A_486 = tpu.memref_slice %arg6[%dma_wait3A_472, %dma_wait3A_484, %dma_wait3A_485] : memref<5x128x128xf32, #tpu.memory_space<vmem>> -> memref<1x128x128xf32, #tpu.memory_space<vmem>>
      %dma_wait3A_487 = tpu.memref_squeeze %dma_wait3A_486 : memref<1x128x128xf32, #tpu.memory_space<vmem>> -> memref<128x128xf32, #tpu.memory_space<vmem>>
      %dma_wait3A_488 = arith.constant 0 : i32
      %dma_wait3A_489 = arith.constant 0 : i32
      %dma_wait3A_490 = tpu.memref_slice %arg4[%dma_wait3A_471, %dma_wait3A_488, %dma_wait3A_489] : memref<50x4096x128xf32, #tpu.memory_space<hbm>> -> memref<1x128x128xf32, #tpu.memory_space<hbm>>
      %dma_wait3A_491 = tpu.memref_squeeze %dma_wait3A_490 : memref<1x128x128xf32, #tpu.memory_space<hbm>> -> memref<128x128xf32, #tpu.memory_space<hbm>>
      tpu.wait_dma2 semaphore(%dma_wait3A_483 : memref<!tpu.dma_semaphore, #tpu.memory_space<semaphore_mem>>) src(%dma_wait3A_491 : memref<128x128xf32, #tpu.memory_space<hbm>>) dst(%dma_wait3A_487 : memref<128x128xf32, #tpu.memory_space<vmem>>)
      %add3A_492 = arith.constant 2 : i32
      %add3A_493 = arith.addi %mul3A_388, %add3A_492 : i32
      %dma_start3A_494 = arith.constant 2 : i32
      %dma_start3A_495 = arith.constant 2 : i32
      %dma_start3A_496 = arith.constant 0 : i32
      %dma_start3A_497 = arith.constant 0 : i32
      %dma_start3A_498 = tpu.memref_slice %arg6[%dma_start3A_494, %dma_start3A_496, %dma_start3A_497] : memref<5x128x128xf32, #tpu.memory_space<vmem>> -> memref<1x128x128xf32, #tpu.memory_space<vmem>>
      %dma_start3A_499 = tpu.memref_squeeze %dma_start3A_498 : memref<1x128x128xf32, #tpu.memory_space<vmem>> -> memref<128x128xf32, #tpu.memory_space<vmem>>
      %dma_start3A_500 = arith.constant 0 : i32
      %dma_start3A_501 = tpu.memref_slice %arg4[%add3A_493, %mul3A_2, %dma_start3A_500] : memref<50x4096x128xf32, #tpu.memory_space<hbm>> -> memref<1x128x128xf32, #tpu.memory_space<hbm>>
      %dma_start3A_502 = tpu.memref_squeeze %dma_start3A_501 : memref<1x128x128xf32, #tpu.memory_space<hbm>> -> memref<128x128xf32, #tpu.memory_space<hbm>>
      %dma_start3A_503 = tpu.memref_slice %arg8[%dma_start3A_495] : memref<5x!tpu.dma_semaphore, #tpu.memory_space<semaphore_mem>> -> memref<1x!tpu.dma_semaphore, #tpu.memory_space<semaphore_mem>>
      %dma_start3A_504 = tpu.memref_squeeze %dma_start3A_503 : memref<1x!tpu.dma_semaphore, #tpu.memory_space<semaphore_mem>> -> memref<!tpu.dma_semaphore, #tpu.memory_space<semaphore_mem>>
      %dma_start3A_505 = arith.constant 0 : i32
      %dma_start3A_506 = tpu.memref_slice %arg4[%add3A_493, %mul3A_2, %dma_start3A_505] : memref<50x4096x128xf32, #tpu.memory_space<hbm>> -> memref<1x128x128xf32, #tpu.memory_space<hbm>>
      %dma_start3A_507 = tpu.memref_squeeze %dma_start3A_506 : memref<1x128x128xf32, #tpu.memory_space<hbm>> -> memref<128x128xf32, #tpu.memory_space<hbm>>
      %dma_start3A_508 = arith.constant 0 : i32
      %dma_start3A_509 = arith.constant 0 : i32
      %dma_start3A_510 = tpu.memref_slice %arg6[%dma_start3A_494, %dma_start3A_508, %dma_start3A_509] : memref<5x128x128xf32, #tpu.memory_space<vmem>> -> memref<1x128x128xf32, #tpu.memory_space<vmem>>
      %dma_start3A_511 = tpu.memref_squeeze %dma_start3A_510 : memref<1x128x128xf32, #tpu.memory_space<vmem>> -> memref<128x128xf32, #tpu.memory_space<vmem>>
      tpu.enqueue_dma source(%dma_start3A_511 : memref<128x128xf32, #tpu.memory_space<vmem>>) target(%dma_start3A_507 : memref<128x128xf32, #tpu.memory_space<hbm>>) target_semaphore(%dma_start3A_504 : memref<!tpu.dma_semaphore, #tpu.memory_space<semaphore_mem>>)
      %dma_wait3A_512 = arith.constant 0 : i32
      %dma_wait3A_513 = arith.constant 3 : i32
      %dma_wait3A_514 = arith.constant 3 : i32
      %dma_wait3A_515 = arith.constant 0 : i32
      %dma_wait3A_516 = arith.constant 0 : i32
      %dma_wait3A_517 = tpu.memref_slice %arg6[%dma_wait3A_513, %dma_wait3A_515, %dma_wait3A_516] : memref<5x128x128xf32, #tpu.memory_space<vmem>> -> memref<1x128x128xf32, #tpu.memory_space<vmem>>
      %dma_wait3A_518 = tpu.memref_squeeze %dma_wait3A_517 : memref<1x128x128xf32, #tpu.memory_space<vmem>> -> memref<128x128xf32, #tpu.memory_space<vmem>>
      %dma_wait3A_519 = arith.constant 0 : i32
      %dma_wait3A_520 = arith.constant 0 : i32
      %dma_wait3A_521 = tpu.memref_slice %arg4[%dma_wait3A_512, %dma_wait3A_519, %dma_wait3A_520] : memref<50x4096x128xf32, #tpu.memory_space<hbm>> -> memref<1x128x128xf32, #tpu.memory_space<hbm>>
      %dma_wait3A_522 = tpu.memref_squeeze %dma_wait3A_521 : memref<1x128x128xf32, #tpu.memory_space<hbm>> -> memref<128x128xf32, #tpu.memory_space<hbm>>
      %dma_wait3A_523 = tpu.memref_slice %arg7[%dma_wait3A_514] : memref<5x!tpu.dma_semaphore, #tpu.memory_space<semaphore_mem>> -> memref<1x!tpu.dma_semaphore, #tpu.memory_space<semaphore_mem>>
      %dma_wait3A_524 = tpu.memref_squeeze %dma_wait3A_523 : memref<1x!tpu.dma_semaphore, #tpu.memory_space<semaphore_mem>> -> memref<!tpu.dma_semaphore, #tpu.memory_space<semaphore_mem>>
      %dma_wait3A_525 = arith.constant 0 : i32
      %dma_wait3A_526 = arith.constant 0 : i32
      %dma_wait3A_527 = tpu.memref_slice %arg6[%dma_wait3A_513, %dma_wait3A_525, %dma_wait3A_526] : memref<5x128x128xf32, #tpu.memory_space<vmem>> -> memref<1x128x128xf32, #tpu.memory_space<vmem>>
      %dma_wait3A_528 = tpu.memref_squeeze %dma_wait3A_527 : memref<1x128x128xf32, #tpu.memory_space<vmem>> -> memref<128x128xf32, #tpu.memory_space<vmem>>
      %dma_wait3A_529 = arith.constant 0 : i32
      %dma_wait3A_530 = arith.constant 0 : i32
      %dma_wait3A_531 = tpu.memref_slice %arg4[%dma_wait3A_512, %dma_wait3A_529, %dma_wait3A_530] : memref<50x4096x128xf32, #tpu.memory_space<hbm>> -> memref<1x128x128xf32, #tpu.memory_space<hbm>>
      %dma_wait3A_532 = tpu.memref_squeeze %dma_wait3A_531 : memref<1x128x128xf32, #tpu.memory_space<hbm>> -> memref<128x128xf32, #tpu.memory_space<hbm>>
      tpu.wait_dma2 semaphore(%dma_wait3A_524 : memref<!tpu.dma_semaphore, #tpu.memory_space<semaphore_mem>>) src(%dma_wait3A_532 : memref<128x128xf32, #tpu.memory_space<hbm>>) dst(%dma_wait3A_528 : memref<128x128xf32, #tpu.memory_space<vmem>>)
      %add3A_533 = arith.constant 3 : i32
      %add3A_534 = arith.addi %mul3A_388, %add3A_533 : i32
      %dma_start3A_535 = arith.constant 3 : i32
      %dma_start3A_536 = arith.constant 3 : i32
      %dma_start3A_537 = arith.constant 0 : i32
      %dma_start3A_538 = arith.constant 0 : i32
      %dma_start3A_539 = tpu.memref_slice %arg6[%dma_start3A_535, %dma_start3A_537, %dma_start3A_538] : memref<5x128x128xf32, #tpu.memory_space<vmem>> -> memref<1x128x128xf32, #tpu.memory_space<vmem>>
      %dma_start3A_540 = tpu.memref_squeeze %dma_start3A_539 : memref<1x128x128xf32, #tpu.memory_space<vmem>> -> memref<128x128xf32, #tpu.memory_space<vmem>>
      %dma_start3A_541 = arith.constant 0 : i32
      %dma_start3A_542 = tpu.memref_slice %arg4[%add3A_534, %mul3A_2, %dma_start3A_541] : memref<50x4096x128xf32, #tpu.memory_space<hbm>> -> memref<1x128x128xf32, #tpu.memory_space<hbm>>
      %dma_start3A_543 = tpu.memref_squeeze %dma_start3A_542 : memref<1x128x128xf32, #tpu.memory_space<hbm>> -> memref<128x128xf32, #tpu.memory_space<hbm>>
      %dma_start3A_544 = tpu.memref_slice %arg8[%dma_start3A_536] : memref<5x!tpu.dma_semaphore, #tpu.memory_space<semaphore_mem>> -> memref<1x!tpu.dma_semaphore, #tpu.memory_space<semaphore_mem>>
      %dma_start3A_545 = tpu.memref_squeeze %dma_start3A_544 : memref<1x!tpu.dma_semaphore, #tpu.memory_space<semaphore_mem>> -> memref<!tpu.dma_semaphore, #tpu.memory_space<semaphore_mem>>
      %dma_start3A_546 = arith.constant 0 : i32
      %dma_start3A_547 = tpu.memref_slice %arg4[%add3A_534, %mul3A_2, %dma_start3A_546] : memref<50x4096x128xf32, #tpu.memory_space<hbm>> -> memref<1x128x128xf32, #tpu.memory_space<hbm>>
      %dma_start3A_548 = tpu.memref_squeeze %dma_start3A_547 : memref<1x128x128xf32, #tpu.memory_space<hbm>> -> memref<128x128xf32, #tpu.memory_space<hbm>>
      %dma_start3A_549 = arith.constant 0 : i32
      %dma_start3A_550 = arith.constant 0 : i32
      %dma_start3A_551 = tpu.memref_slice %arg6[%dma_start3A_535, %dma_start3A_549, %dma_start3A_550] : memref<5x128x128xf32, #tpu.memory_space<vmem>> -> memref<1x128x128xf32, #tpu.memory_space<vmem>>
      %dma_start3A_552 = tpu.memref_squeeze %dma_start3A_551 : memref<1x128x128xf32, #tpu.memory_space<vmem>> -> memref<128x128xf32, #tpu.memory_space<vmem>>
      tpu.enqueue_dma source(%dma_start3A_552 : memref<128x128xf32, #tpu.memory_space<vmem>>) target(%dma_start3A_548 : memref<128x128xf32, #tpu.memory_space<hbm>>) target_semaphore(%dma_start3A_545 : memref<!tpu.dma_semaphore, #tpu.memory_space<semaphore_mem>>)
      %dma_wait3A_553 = arith.constant 0 : i32
      %dma_wait3A_554 = arith.constant 4 : i32
      %dma_wait3A_555 = arith.constant 4 : i32
      %dma_wait3A_556 = arith.constant 0 : i32
      %dma_wait3A_557 = arith.constant 0 : i32
      %dma_wait3A_558 = tpu.memref_slice %arg6[%dma_wait3A_554, %dma_wait3A_556, %dma_wait3A_557] : memref<5x128x128xf32, #tpu.memory_space<vmem>> -> memref<1x128x128xf32, #tpu.memory_space<vmem>>
      %dma_wait3A_559 = tpu.memref_squeeze %dma_wait3A_558 : memref<1x128x128xf32, #tpu.memory_space<vmem>> -> memref<128x128xf32, #tpu.memory_space<vmem>>
      %dma_wait3A_560 = arith.constant 0 : i32
      %dma_wait3A_561 = arith.constant 0 : i32
      %dma_wait3A_562 = tpu.memref_slice %arg4[%dma_wait3A_553, %dma_wait3A_560, %dma_wait3A_561] : memref<50x4096x128xf32, #tpu.memory_space<hbm>> -> memref<1x128x128xf32, #tpu.memory_space<hbm>>
      %dma_wait3A_563 = tpu.memref_squeeze %dma_wait3A_562 : memref<1x128x128xf32, #tpu.memory_space<hbm>> -> memref<128x128xf32, #tpu.memory_space<hbm>>
      %dma_wait3A_564 = tpu.memref_slice %arg7[%dma_wait3A_555] : memref<5x!tpu.dma_semaphore, #tpu.memory_space<semaphore_mem>> -> memref<1x!tpu.dma_semaphore, #tpu.memory_space<semaphore_mem>>
      %dma_wait3A_565 = tpu.memref_squeeze %dma_wait3A_564 : memref<1x!tpu.dma_semaphore, #tpu.memory_space<semaphore_mem>> -> memref<!tpu.dma_semaphore, #tpu.memory_space<semaphore_mem>>
      %dma_wait3A_566 = arith.constant 0 : i32
      %dma_wait3A_567 = arith.constant 0 : i32
      %dma_wait3A_568 = tpu.memref_slice %arg6[%dma_wait3A_554, %dma_wait3A_566, %dma_wait3A_567] : memref<5x128x128xf32, #tpu.memory_space<vmem>> -> memref<1x128x128xf32, #tpu.memory_space<vmem>>
      %dma_wait3A_569 = tpu.memref_squeeze %dma_wait3A_568 : memref<1x128x128xf32, #tpu.memory_space<vmem>> -> memref<128x128xf32, #tpu.memory_space<vmem>>
      %dma_wait3A_570 = arith.constant 0 : i32
      %dma_wait3A_571 = arith.constant 0 : i32
      %dma_wait3A_572 = tpu.memref_slice %arg4[%dma_wait3A_553, %dma_wait3A_570, %dma_wait3A_571] : memref<50x4096x128xf32, #tpu.memory_space<hbm>> -> memref<1x128x128xf32, #tpu.memory_space<hbm>>
      %dma_wait3A_573 = tpu.memref_squeeze %dma_wait3A_572 : memref<1x128x128xf32, #tpu.memory_space<hbm>> -> memref<128x128xf32, #tpu.memory_space<hbm>>
      tpu.wait_dma2 semaphore(%dma_wait3A_565 : memref<!tpu.dma_semaphore, #tpu.memory_space<semaphore_mem>>) src(%dma_wait3A_573 : memref<128x128xf32, #tpu.memory_space<hbm>>) dst(%dma_wait3A_569 : memref<128x128xf32, #tpu.memory_space<vmem>>)
      %add3A_574 = arith.constant 4 : i32
      %add3A_575 = arith.addi %mul3A_388, %add3A_574 : i32
      %dma_start3A_576 = arith.constant 4 : i32
      %dma_start3A_577 = arith.constant 4 : i32
      %dma_start3A_578 = arith.constant 0 : i32
      %dma_start3A_579 = arith.constant 0 : i32
      %dma_start3A_580 = tpu.memref_slice %arg6[%dma_start3A_576, %dma_start3A_578, %dma_start3A_579] : memref<5x128x128xf32, #tpu.memory_space<vmem>> -> memref<1x128x128xf32, #tpu.memory_space<vmem>>
      %dma_start3A_581 = tpu.memref_squeeze %dma_start3A_580 : memref<1x128x128xf32, #tpu.memory_space<vmem>> -> memref<128x128xf32, #tpu.memory_space<vmem>>
      %dma_start3A_582 = arith.constant 0 : i32
      %dma_start3A_583 = tpu.memref_slice %arg4[%add3A_575, %mul3A_2, %dma_start3A_582] : memref<50x4096x128xf32, #tpu.memory_space<hbm>> -> memref<1x128x128xf32, #tpu.memory_space<hbm>>
      %dma_start3A_584 = tpu.memref_squeeze %dma_start3A_583 : memref<1x128x128xf32, #tpu.memory_space<hbm>> -> memref<128x128xf32, #tpu.memory_space<hbm>>
      %dma_start3A_585 = tpu.memref_slice %arg8[%dma_start3A_577] : memref<5x!tpu.dma_semaphore, #tpu.memory_space<semaphore_mem>> -> memref<1x!tpu.dma_semaphore, #tpu.memory_space<semaphore_mem>>
      %dma_start3A_586 = tpu.memref_squeeze %dma_start3A_585 : memref<1x!tpu.dma_semaphore, #tpu.memory_space<semaphore_mem>> -> memref<!tpu.dma_semaphore, #tpu.memory_space<semaphore_mem>>
      %dma_start3A_587 = arith.constant 0 : i32
      %dma_start3A_588 = tpu.memref_slice %arg4[%add3A_575, %mul3A_2, %dma_start3A_587] : memref<50x4096x128xf32, #tpu.memory_space<hbm>> -> memref<1x128x128xf32, #tpu.memory_space<hbm>>
      %dma_start3A_589 = tpu.memref_squeeze %dma_start3A_588 : memref<1x128x128xf32, #tpu.memory_space<hbm>> -> memref<128x128xf32, #tpu.memory_space<hbm>>
      %dma_start3A_590 = arith.constant 0 : i32
      %dma_start3A_591 = arith.constant 0 : i32
      %dma_start3A_592 = tpu.memref_slice %arg6[%dma_start3A_576, %dma_start3A_590, %dma_start3A_591] : memref<5x128x128xf32, #tpu.memory_space<vmem>> -> memref<1x128x128xf32, #tpu.memory_space<vmem>>
      %dma_start3A_593 = tpu.memref_squeeze %dma_start3A_592 : memref<1x128x128xf32, #tpu.memory_space<vmem>> -> memref<128x128xf32, #tpu.memory_space<vmem>>
      tpu.enqueue_dma source(%dma_start3A_593 : memref<128x128xf32, #tpu.memory_space<vmem>>) target(%dma_start3A_589 : memref<128x128xf32, #tpu.memory_space<hbm>>) target_semaphore(%dma_start3A_586 : memref<!tpu.dma_semaphore, #tpu.memory_space<semaphore_mem>>)
      %dma_wait3A_594 = arith.constant 0 : i32
      %dma_wait3A_595 = arith.constant 0 : i32
      %dma_wait3A_596 = arith.constant 0 : i32
      %dma_wait3A_597 = arith.constant 0 : i32
      %dma_wait3A_598 = arith.constant 0 : i32
      %dma_wait3A_599 = tpu.memref_slice %arg6[%dma_wait3A_594, %dma_wait3A_597, %dma_wait3A_598] : memref<5x128x128xf32, #tpu.memory_space<vmem>> -> memref<1x128x128xf32, #tpu.memory_space<vmem>>
      %dma_wait3A_600 = tpu.memref_squeeze %dma_wait3A_599 : memref<1x128x128xf32, #tpu.memory_space<vmem>> -> memref<128x128xf32, #tpu.memory_space<vmem>>
      %dma_wait3A_601 = arith.constant 0 : i32
      %dma_wait3A_602 = arith.constant 0 : i32
      %dma_wait3A_603 = tpu.memref_slice %arg4[%dma_wait3A_595, %dma_wait3A_601, %dma_wait3A_602] : memref<50x4096x128xf32, #tpu.memory_space<hbm>> -> memref<1x128x128xf32, #tpu.memory_space<hbm>>
      %dma_wait3A_604 = tpu.memref_squeeze %dma_wait3A_603 : memref<1x128x128xf32, #tpu.memory_space<hbm>> -> memref<128x128xf32, #tpu.memory_space<hbm>>
      %dma_wait3A_605 = tpu.memref_slice %arg8[%dma_wait3A_596] : memref<5x!tpu.dma_semaphore, #tpu.memory_space<semaphore_mem>> -> memref<1x!tpu.dma_semaphore, #tpu.memory_space<semaphore_mem>>
      %dma_wait3A_606 = tpu.memref_squeeze %dma_wait3A_605 : memref<1x!tpu.dma_semaphore, #tpu.memory_space<semaphore_mem>> -> memref<!tpu.dma_semaphore, #tpu.memory_space<semaphore_mem>>
      %dma_wait3A_607 = arith.constant 0 : i32
      %dma_wait3A_608 = arith.constant 0 : i32
      %dma_wait3A_609 = tpu.memref_slice %arg4[%dma_wait3A_595, %dma_wait3A_607, %dma_wait3A_608] : memref<50x4096x128xf32, #tpu.memory_space<hbm>> -> memref<1x128x128xf32, #tpu.memory_space<hbm>>
      %dma_wait3A_610 = tpu.memref_squeeze %dma_wait3A_609 : memref<1x128x128xf32, #tpu.memory_space<hbm>> -> memref<128x128xf32, #tpu.memory_space<hbm>>
      %dma_wait3A_611 = arith.constant 0 : i32
      %dma_wait3A_612 = arith.constant 0 : i32
      %dma_wait3A_613 = tpu.memref_slice %arg6[%dma_wait3A_594, %dma_wait3A_611, %dma_wait3A_612] : memref<5x128x128xf32, #tpu.memory_space<vmem>> -> memref<1x128x128xf32, #tpu.memory_space<vmem>>
      %dma_wait3A_614 = tpu.memref_squeeze %dma_wait3A_613 : memref<1x128x128xf32, #tpu.memory_space<vmem>> -> memref<128x128xf32, #tpu.memory_space<vmem>>
      tpu.wait_dma2 semaphore(%dma_wait3A_606 : memref<!tpu.dma_semaphore, #tpu.memory_space<semaphore_mem>>) src(%dma_wait3A_614 : memref<128x128xf32, #tpu.memory_space<vmem>>) dst(%dma_wait3A_610 : memref<128x128xf32, #tpu.memory_space<hbm>>)
      %add3A_615 = arith.constant 5 : i32
      %add3A_616 = arith.addi %mul3A_388, %add3A_615 : i32
      %add3A_617 = arith.constant 0 : i32
      %add3A_618 = arith.addi %add3A_616, %add3A_617 : i32
      %dma_start3A_619 = arith.constant 0 : i32
      %dma_start3A_620 = arith.constant 0 : i32
      %dma_start3A_621 = arith.constant 0 : i32
      %dma_start3A_622 = arith.constant 0 : i32
      %dma_start3A_623 = tpu.memref_slice %arg6[%dma_start3A_619, %dma_start3A_621, %dma_start3A_622] : memref<5x128x128xf32, #tpu.memory_space<vmem>> -> memref<1x128x128xf32, #tpu.memory_space<vmem>>
      %dma_start3A_624 = tpu.memref_squeeze %dma_start3A_623 : memref<1x128x128xf32, #tpu.memory_space<vmem>> -> memref<128x128xf32, #tpu.memory_space<vmem>>
      %dma_start3A_625 = arith.constant 0 : i32
      %dma_start3A_626 = tpu.memref_slice %arg5[%add3A_618, %dma_start3A_625] : memref<50x128xi32, #tpu.memory_space<vmem>> -> memref<1x128xi32, #tpu.memory_space<vmem>>
      %dma_start3A_627 = tpu.memref_squeeze %dma_start3A_626 : memref<1x128xi32, #tpu.memory_space<vmem>> -> memref<128xi32, #tpu.memory_space<vmem>>
      %dma_start3A_628 = arith.constant 0 : i32
      %dma_start3A_629 = arith.constant 0 : i32
      %dma_start3A_630 = tpu.memref_slice %arg3[%dma_start3A_628, %dma_start3A_629] : memref<100000x128xf32, #tpu.memory_space<hbm>> -> memref<100000x128xf32, #tpu.memory_space<hbm>>
      %dma_start3A_631 = tpu.memref_slice %arg7[%dma_start3A_620] : memref<5x!tpu.dma_semaphore, #tpu.memory_space<semaphore_mem>> -> memref<1x!tpu.dma_semaphore, #tpu.memory_space<semaphore_mem>>
      %dma_start3A_632 = tpu.memref_squeeze %dma_start3A_631 : memref<1x!tpu.dma_semaphore, #tpu.memory_space<semaphore_mem>> -> memref<!tpu.dma_semaphore, #tpu.memory_space<semaphore_mem>>
      tpu.enqueue_indirect_dma source(%dma_start3A_630 : memref<100000x128xf32, #tpu.memory_space<hbm>>) target(%dma_start3A_624 : memref<128x128xf32, #tpu.memory_space<vmem>>) offsets(%dma_start3A_627 : memref<128xi32, #tpu.memory_space<vmem>>) semaphore(%dma_start3A_632 : memref<!tpu.dma_semaphore, #tpu.memory_space<semaphore_mem>>)
      %dma_wait3A_633 = arith.constant 1 : i32
      %dma_wait3A_634 = arith.constant 0 : i32
      %dma_wait3A_635 = arith.constant 1 : i32
      %dma_wait3A_636 = arith.constant 0 : i32
      %dma_wait3A_637 = arith.constant 0 : i32
      %dma_wait3A_638 = tpu.memref_slice %arg6[%dma_wait3A_633, %dma_wait3A_636, %dma_wait3A_637] : memref<5x128x128xf32, #tpu.memory_space<vmem>> -> memref<1x128x128xf32, #tpu.memory_space<vmem>>
      %dma_wait3A_639 = tpu.memref_squeeze %dma_wait3A_638 : memref<1x128x128xf32, #tpu.memory_space<vmem>> -> memref<128x128xf32, #tpu.memory_space<vmem>>
      %dma_wait3A_640 = arith.constant 0 : i32
      %dma_wait3A_641 = arith.constant 0 : i32
      %dma_wait3A_642 = tpu.memref_slice %arg4[%dma_wait3A_634, %dma_wait3A_640, %dma_wait3A_641] : memref<50x4096x128xf32, #tpu.memory_space<hbm>> -> memref<1x128x128xf32, #tpu.memory_space<hbm>>
      %dma_wait3A_643 = tpu.memref_squeeze %dma_wait3A_642 : memref<1x128x128xf32, #tpu.memory_space<hbm>> -> memref<128x128xf32, #tpu.memory_space<hbm>>
      %dma_wait3A_644 = tpu.memref_slice %arg8[%dma_wait3A_635] : memref<5x!tpu.dma_semaphore, #tpu.memory_space<semaphore_mem>> -> memref<1x!tpu.dma_semaphore, #tpu.memory_space<semaphore_mem>>
      %dma_wait3A_645 = tpu.memref_squeeze %dma_wait3A_644 : memref<1x!tpu.dma_semaphore, #tpu.memory_space<semaphore_mem>> -> memref<!tpu.dma_semaphore, #tpu.memory_space<semaphore_mem>>
      %dma_wait3A_646 = arith.constant 0 : i32
      %dma_wait3A_647 = arith.constant 0 : i32
      %dma_wait3A_648 = tpu.memref_slice %arg4[%dma_wait3A_634, %dma_wait3A_646, %dma_wait3A_647] : memref<50x4096x128xf32, #tpu.memory_space<hbm>> -> memref<1x128x128xf32, #tpu.memory_space<hbm>>
      %dma_wait3A_649 = tpu.memref_squeeze %dma_wait3A_648 : memref<1x128x128xf32, #tpu.memory_space<hbm>> -> memref<128x128xf32, #tpu.memory_space<hbm>>
      %dma_wait3A_650 = arith.constant 0 : i32
      %dma_wait3A_651 = arith.constant 0 : i32
      %dma_wait3A_652 = tpu.memref_slice %arg6[%dma_wait3A_633, %dma_wait3A_650, %dma_wait3A_651] : memref<5x128x128xf32, #tpu.memory_space<vmem>> -> memref<1x128x128xf32, #tpu.memory_space<vmem>>
      %dma_wait3A_653 = tpu.memref_squeeze %dma_wait3A_652 : memref<1x128x128xf32, #tpu.memory_space<vmem>> -> memref<128x128xf32, #tpu.memory_space<vmem>>
      tpu.wait_dma2 semaphore(%dma_wait3A_645 : memref<!tpu.dma_semaphore, #tpu.memory_space<semaphore_mem>>) src(%dma_wait3A_653 : memref<128x128xf32, #tpu.memory_space<vmem>>) dst(%dma_wait3A_649 : memref<128x128xf32, #tpu.memory_space<hbm>>)
      %add3A_654 = arith.constant 5 : i32
      %add3A_655 = arith.addi %mul3A_388, %add3A_654 : i32
      %add3A_656 = arith.constant 1 : i32
      %add3A_657 = arith.addi %add3A_655, %add3A_656 : i32
      %dma_start3A_658 = arith.constant 1 : i32
      %dma_start3A_659 = arith.constant 1 : i32
      %dma_start3A_660 = arith.constant 0 : i32
      %dma_start3A_661 = arith.constant 0 : i32
      %dma_start3A_662 = tpu.memref_slice %arg6[%dma_start3A_658, %dma_start3A_660, %dma_start3A_661] : memref<5x128x128xf32, #tpu.memory_space<vmem>> -> memref<1x128x128xf32, #tpu.memory_space<vmem>>
      %dma_start3A_663 = tpu.memref_squeeze %dma_start3A_662 : memref<1x128x128xf32, #tpu.memory_space<vmem>> -> memref<128x128xf32, #tpu.memory_space<vmem>>
      %dma_start3A_664 = arith.constant 0 : i32
      %dma_start3A_665 = tpu.memref_slice %arg5[%add3A_657, %dma_start3A_664] : memref<50x128xi32, #tpu.memory_space<vmem>> -> memref<1x128xi32, #tpu.memory_space<vmem>>
      %dma_start3A_666 = tpu.memref_squeeze %dma_start3A_665 : memref<1x128xi32, #tpu.memory_space<vmem>> -> memref<128xi32, #tpu.memory_space<vmem>>
      %dma_start3A_667 = arith.constant 0 : i32
      %dma_start3A_668 = arith.constant 0 : i32
      %dma_start3A_669 = tpu.memref_slice %arg3[%dma_start3A_667, %dma_start3A_668] : memref<100000x128xf32, #tpu.memory_space<hbm>> -> memref<100000x128xf32, #tpu.memory_space<hbm>>
      %dma_start3A_670 = tpu.memref_slice %arg7[%dma_start3A_659] : memref<5x!tpu.dma_semaphore, #tpu.memory_space<semaphore_mem>> -> memref<1x!tpu.dma_semaphore, #tpu.memory_space<semaphore_mem>>
      %dma_start3A_671 = tpu.memref_squeeze %dma_start3A_670 : memref<1x!tpu.dma_semaphore, #tpu.memory_space<semaphore_mem>> -> memref<!tpu.dma_semaphore, #tpu.memory_space<semaphore_mem>>
      tpu.enqueue_indirect_dma source(%dma_start3A_669 : memref<100000x128xf32, #tpu.memory_space<hbm>>) target(%dma_start3A_663 : memref<128x128xf32, #tpu.memory_space<vmem>>) offsets(%dma_start3A_666 : memref<128xi32, #tpu.memory_space<vmem>>) semaphore(%dma_start3A_671 : memref<!tpu.dma_semaphore, #tpu.memory_space<semaphore_mem>>)
      %dma_wait3A_672 = arith.constant 2 : i32
      %dma_wait3A_673 = arith.constant 0 : i32
      %dma_wait3A_674 = arith.constant 2 : i32
      %dma_wait3A_675 = arith.constant 0 : i32
      %dma_wait3A_676 = arith.constant 0 : i32
      %dma_wait3A_677 = tpu.memref_slice %arg6[%dma_wait3A_672, %dma_wait3A_675, %dma_wait3A_676] : memref<5x128x128xf32, #tpu.memory_space<vmem>> -> memref<1x128x128xf32, #tpu.memory_space<vmem>>
      %dma_wait3A_678 = tpu.memref_squeeze %dma_wait3A_677 : memref<1x128x128xf32, #tpu.memory_space<vmem>> -> memref<128x128xf32, #tpu.memory_space<vmem>>
      %dma_wait3A_679 = arith.constant 0 : i32
      %dma_wait3A_680 = arith.constant 0 : i32
      %dma_wait3A_681 = tpu.memref_slice %arg4[%dma_wait3A_673, %dma_wait3A_679, %dma_wait3A_680] : memref<50x4096x128xf32, #tpu.memory_space<hbm>> -> memref<1x128x128xf32, #tpu.memory_space<hbm>>
      %dma_wait3A_682 = tpu.memref_squeeze %dma_wait3A_681 : memref<1x128x128xf32, #tpu.memory_space<hbm>> -> memref<128x128xf32, #tpu.memory_space<hbm>>
      %dma_wait3A_683 = tpu.memref_slice %arg8[%dma_wait3A_674] : memref<5x!tpu.dma_semaphore, #tpu.memory_space<semaphore_mem>> -> memref<1x!tpu.dma_semaphore, #tpu.memory_space<semaphore_mem>>
      %dma_wait3A_684 = tpu.memref_squeeze %dma_wait3A_683 : memref<1x!tpu.dma_semaphore, #tpu.memory_space<semaphore_mem>> -> memref<!tpu.dma_semaphore, #tpu.memory_space<semaphore_mem>>
      %dma_wait3A_685 = arith.constant 0 : i32
      %dma_wait3A_686 = arith.constant 0 : i32
      %dma_wait3A_687 = tpu.memref_slice %arg4[%dma_wait3A_673, %dma_wait3A_685, %dma_wait3A_686] : memref<50x4096x128xf32, #tpu.memory_space<hbm>> -> memref<1x128x128xf32, #tpu.memory_space<hbm>>
      %dma_wait3A_688 = tpu.memref_squeeze %dma_wait3A_687 : memref<1x128x128xf32, #tpu.memory_space<hbm>> -> memref<128x128xf32, #tpu.memory_space<hbm>>
      %dma_wait3A_689 = arith.constant 0 : i32
      %dma_wait3A_690 = arith.constant 0 : i32
      %dma_wait3A_691 = tpu.memref_slice %arg6[%dma_wait3A_672, %dma_wait3A_689, %dma_wait3A_690] : memref<5x128x128xf32, #tpu.memory_space<vmem>> -> memref<1x128x128xf32, #tpu.memory_space<vmem>>
      %dma_wait3A_692 = tpu.memref_squeeze %dma_wait3A_691 : memref<1x128x128xf32, #tpu.memory_space<vmem>> -> memref<128x128xf32, #tpu.memory_space<vmem>>
      tpu.wait_dma2 semaphore(%dma_wait3A_684 : memref<!tpu.dma_semaphore, #tpu.memory_space<semaphore_mem>>) src(%dma_wait3A_692 : memref<128x128xf32, #tpu.memory_space<vmem>>) dst(%dma_wait3A_688 : memref<128x128xf32, #tpu.memory_space<hbm>>)
      %add3A_693 = arith.constant 5 : i32
      %add3A_694 = arith.addi %mul3A_388, %add3A_693 : i32
      %add3A_695 = arith.constant 2 : i32
      %add3A_696 = arith.addi %add3A_694, %add3A_695 : i32
      %dma_start3A_697 = arith.constant 2 : i32
      %dma_start3A_698 = arith.constant 2 : i32
      %dma_start3A_699 = arith.constant 0 : i32
      %dma_start3A_700 = arith.constant 0 : i32
      %dma_start3A_701 = tpu.memref_slice %arg6[%dma_start3A_697, %dma_start3A_699, %dma_start3A_700] : memref<5x128x128xf32, #tpu.memory_space<vmem>> -> memref<1x128x128xf32, #tpu.memory_space<vmem>>
      %dma_start3A_702 = tpu.memref_squeeze %dma_start3A_701 : memref<1x128x128xf32, #tpu.memory_space<vmem>> -> memref<128x128xf32, #tpu.memory_space<vmem>>
      %dma_start3A_703 = arith.constant 0 : i32
      %dma_start3A_704 = tpu.memref_slice %arg5[%add3A_696, %dma_start3A_703] : memref<50x128xi32, #tpu.memory_space<vmem>> -> memref<1x128xi32, #tpu.memory_space<vmem>>
      %dma_start3A_705 = tpu.memref_squeeze %dma_start3A_704 : memref<1x128xi32, #tpu.memory_space<vmem>> -> memref<128xi32, #tpu.memory_space<vmem>>
      %dma_start3A_706 = arith.constant 0 : i32
      %dma_start3A_707 = arith.constant 0 : i32
      %dma_start3A_708 = tpu.memref_slice %arg3[%dma_start3A_706, %dma_start3A_707] : memref<100000x128xf32, #tpu.memory_space<hbm>> -> memref<100000x128xf32, #tpu.memory_space<hbm>>
      %dma_start3A_709 = tpu.memref_slice %arg7[%dma_start3A_698] : memref<5x!tpu.dma_semaphore, #tpu.memory_space<semaphore_mem>> -> memref<1x!tpu.dma_semaphore, #tpu.memory_space<semaphore_mem>>
      %dma_start3A_710 = tpu.memref_squeeze %dma_start3A_709 : memref<1x!tpu.dma_semaphore, #tpu.memory_space<semaphore_mem>> -> memref<!tpu.dma_semaphore, #tpu.memory_space<semaphore_mem>>
      tpu.enqueue_indirect_dma source(%dma_start3A_708 : memref<100000x128xf32, #tpu.memory_space<hbm>>) target(%dma_start3A_702 : memref<128x128xf32, #tpu.memory_space<vmem>>) offsets(%dma_start3A_705 : memref<128xi32, #tpu.memory_space<vmem>>) semaphore(%dma_start3A_710 : memref<!tpu.dma_semaphore, #tpu.memory_space<semaphore_mem>>)
      %dma_wait3A_711 = arith.constant 3 : i32
      %dma_wait3A_712 = arith.constant 0 : i32
      %dma_wait3A_713 = arith.constant 3 : i32
      %dma_wait3A_714 = arith.constant 0 : i32
      %dma_wait3A_715 = arith.constant 0 : i32
      %dma_wait3A_716 = tpu.memref_slice %arg6[%dma_wait3A_711, %dma_wait3A_714, %dma_wait3A_715] : memref<5x128x128xf32, #tpu.memory_space<vmem>> -> memref<1x128x128xf32, #tpu.memory_space<vmem>>
      %dma_wait3A_717 = tpu.memref_squeeze %dma_wait3A_716 : memref<1x128x128xf32, #tpu.memory_space<vmem>> -> memref<128x128xf32, #tpu.memory_space<vmem>>
      %dma_wait3A_718 = arith.constant 0 : i32
      %dma_wait3A_719 = arith.constant 0 : i32
      %dma_wait3A_720 = tpu.memref_slice %arg4[%dma_wait3A_712, %dma_wait3A_718, %dma_wait3A_719] : memref<50x4096x128xf32, #tpu.memory_space<hbm>> -> memref<1x128x128xf32, #tpu.memory_space<hbm>>
      %dma_wait3A_721 = tpu.memref_squeeze %dma_wait3A_720 : memref<1x128x128xf32, #tpu.memory_space<hbm>> -> memref<128x128xf32, #tpu.memory_space<hbm>>
      %dma_wait3A_722 = tpu.memref_slice %arg8[%dma_wait3A_713] : memref<5x!tpu.dma_semaphore, #tpu.memory_space<semaphore_mem>> -> memref<1x!tpu.dma_semaphore, #tpu.memory_space<semaphore_mem>>
      %dma_wait3A_723 = tpu.memref_squeeze %dma_wait3A_722 : memref<1x!tpu.dma_semaphore, #tpu.memory_space<semaphore_mem>> -> memref<!tpu.dma_semaphore, #tpu.memory_space<semaphore_mem>>
      %dma_wait3A_724 = arith.constant 0 : i32
      %dma_wait3A_725 = arith.constant 0 : i32
      %dma_wait3A_726 = tpu.memref_slice %arg4[%dma_wait3A_712, %dma_wait3A_724, %dma_wait3A_725] : memref<50x4096x128xf32, #tpu.memory_space<hbm>> -> memref<1x128x128xf32, #tpu.memory_space<hbm>>
      %dma_wait3A_727 = tpu.memref_squeeze %dma_wait3A_726 : memref<1x128x128xf32, #tpu.memory_space<hbm>> -> memref<128x128xf32, #tpu.memory_space<hbm>>
      %dma_wait3A_728 = arith.constant 0 : i32
      %dma_wait3A_729 = arith.constant 0 : i32
      %dma_wait3A_730 = tpu.memref_slice %arg6[%dma_wait3A_711, %dma_wait3A_728, %dma_wait3A_729] : memref<5x128x128xf32, #tpu.memory_space<vmem>> -> memref<1x128x128xf32, #tpu.memory_space<vmem>>
      %dma_wait3A_731 = tpu.memref_squeeze %dma_wait3A_730 : memref<1x128x128xf32, #tpu.memory_space<vmem>> -> memref<128x128xf32, #tpu.memory_space<vmem>>
      tpu.wait_dma2 semaphore(%dma_wait3A_723 : memref<!tpu.dma_semaphore, #tpu.memory_space<semaphore_mem>>) src(%dma_wait3A_731 : memref<128x128xf32, #tpu.memory_space<vmem>>) dst(%dma_wait3A_727 : memref<128x128xf32, #tpu.memory_space<hbm>>)
      %add3A_732 = arith.constant 5 : i32
      %add3A_733 = arith.addi %mul3A_388, %add3A_732 : i32
      %add3A_734 = arith.constant 3 : i32
      %add3A_735 = arith.addi %add3A_733, %add3A_734 : i32
      %dma_start3A_736 = arith.constant 3 : i32
      %dma_start3A_737 = arith.constant 3 : i32
      %dma_start3A_738 = arith.constant 0 : i32
      %dma_start3A_739 = arith.constant 0 : i32
      %dma_start3A_740 = tpu.memref_slice %arg6[%dma_start3A_736, %dma_start3A_738, %dma_start3A_739] : memref<5x128x128xf32, #tpu.memory_space<vmem>> -> memref<1x128x128xf32, #tpu.memory_space<vmem>>
      %dma_start3A_741 = tpu.memref_squeeze %dma_start3A_740 : memref<1x128x128xf32, #tpu.memory_space<vmem>> -> memref<128x128xf32, #tpu.memory_space<vmem>>
      %dma_start3A_742 = arith.constant 0 : i32
      %dma_start3A_743 = tpu.memref_slice %arg5[%add3A_735, %dma_start3A_742] : memref<50x128xi32, #tpu.memory_space<vmem>> -> memref<1x128xi32, #tpu.memory_space<vmem>>
      %dma_start3A_744 = tpu.memref_squeeze %dma_start3A_743 : memref<1x128xi32, #tpu.memory_space<vmem>> -> memref<128xi32, #tpu.memory_space<vmem>>
      %dma_start3A_745 = arith.constant 0 : i32
      %dma_start3A_746 = arith.constant 0 : i32
      %dma_start3A_747 = tpu.memref_slice %arg3[%dma_start3A_745, %dma_start3A_746] : memref<100000x128xf32, #tpu.memory_space<hbm>> -> memref<100000x128xf32, #tpu.memory_space<hbm>>
      %dma_start3A_748 = tpu.memref_slice %arg7[%dma_start3A_737] : memref<5x!tpu.dma_semaphore, #tpu.memory_space<semaphore_mem>> -> memref<1x!tpu.dma_semaphore, #tpu.memory_space<semaphore_mem>>
      %dma_start3A_749 = tpu.memref_squeeze %dma_start3A_748 : memref<1x!tpu.dma_semaphore, #tpu.memory_space<semaphore_mem>> -> memref<!tpu.dma_semaphore, #tpu.memory_space<semaphore_mem>>
      tpu.enqueue_indirect_dma source(%dma_start3A_747 : memref<100000x128xf32, #tpu.memory_space<hbm>>) target(%dma_start3A_741 : memref<128x128xf32, #tpu.memory_space<vmem>>) offsets(%dma_start3A_744 : memref<128xi32, #tpu.memory_space<vmem>>) semaphore(%dma_start3A_749 : memref<!tpu.dma_semaphore, #tpu.memory_space<semaphore_mem>>)
      %dma_wait3A_750 = arith.constant 4 : i32
      %dma_wait3A_751 = arith.constant 0 : i32
      %dma_wait3A_752 = arith.constant 4 : i32
      %dma_wait3A_753 = arith.constant 0 : i32
      %dma_wait3A_754 = arith.constant 0 : i32
      %dma_wait3A_755 = tpu.memref_slice %arg6[%dma_wait3A_750, %dma_wait3A_753, %dma_wait3A_754] : memref<5x128x128xf32, #tpu.memory_space<vmem>> -> memref<1x128x128xf32, #tpu.memory_space<vmem>>
      %dma_wait3A_756 = tpu.memref_squeeze %dma_wait3A_755 : memref<1x128x128xf32, #tpu.memory_space<vmem>> -> memref<128x128xf32, #tpu.memory_space<vmem>>
      %dma_wait3A_757 = arith.constant 0 : i32
      %dma_wait3A_758 = arith.constant 0 : i32
      %dma_wait3A_759 = tpu.memref_slice %arg4[%dma_wait3A_751, %dma_wait3A_757, %dma_wait3A_758] : memref<50x4096x128xf32, #tpu.memory_space<hbm>> -> memref<1x128x128xf32, #tpu.memory_space<hbm>>
      %dma_wait3A_760 = tpu.memref_squeeze %dma_wait3A_759 : memref<1x128x128xf32, #tpu.memory_space<hbm>> -> memref<128x128xf32, #tpu.memory_space<hbm>>
      %dma_wait3A_761 = tpu.memref_slice %arg8[%dma_wait3A_752] : memref<5x!tpu.dma_semaphore, #tpu.memory_space<semaphore_mem>> -> memref<1x!tpu.dma_semaphore, #tpu.memory_space<semaphore_mem>>
      %dma_wait3A_762 = tpu.memref_squeeze %dma_wait3A_761 : memref<1x!tpu.dma_semaphore, #tpu.memory_space<semaphore_mem>> -> memref<!tpu.dma_semaphore, #tpu.memory_space<semaphore_mem>>
      %dma_wait3A_763 = arith.constant 0 : i32
      %dma_wait3A_764 = arith.constant 0 : i32
      %dma_wait3A_765 = tpu.memref_slice %arg4[%dma_wait3A_751, %dma_wait3A_763, %dma_wait3A_764] : memref<50x4096x128xf32, #tpu.memory_space<hbm>> -> memref<1x128x128xf32, #tpu.memory_space<hbm>>
      %dma_wait3A_766 = tpu.memref_squeeze %dma_wait3A_765 : memref<1x128x128xf32, #tpu.memory_space<hbm>> -> memref<128x128xf32, #tpu.memory_space<hbm>>
      %dma_wait3A_767 = arith.constant 0 : i32
      %dma_wait3A_768 = arith.constant 0 : i32
      %dma_wait3A_769 = tpu.memref_slice %arg6[%dma_wait3A_750, %dma_wait3A_767, %dma_wait3A_768] : memref<5x128x128xf32, #tpu.memory_space<vmem>> -> memref<1x128x128xf32, #tpu.memory_space<vmem>>
      %dma_wait3A_770 = tpu.memref_squeeze %dma_wait3A_769 : memref<1x128x128xf32, #tpu.memory_space<vmem>> -> memref<128x128xf32, #tpu.memory_space<vmem>>
      tpu.wait_dma2 semaphore(%dma_wait3A_762 : memref<!tpu.dma_semaphore, #tpu.memory_space<semaphore_mem>>) src(%dma_wait3A_770 : memref<128x128xf32, #tpu.memory_space<vmem>>) dst(%dma_wait3A_766 : memref<128x128xf32, #tpu.memory_space<hbm>>)
      %add3A_771 = arith.constant 5 : i32
      %add3A_772 = arith.addi %mul3A_388, %add3A_771 : i32
      %add3A_773 = arith.constant 4 : i32
      %add3A_774 = arith.addi %add3A_772, %add3A_773 : i32
      %dma_start3A_775 = arith.constant 4 : i32
      %dma_start3A_776 = arith.constant 4 : i32
      %dma_start3A_777 = arith.constant 0 : i32
      %dma_start3A_778 = arith.constant 0 : i32
      %dma_start3A_779 = tpu.memref_slice %arg6[%dma_start3A_775, %dma_start3A_777, %dma_start3A_778] : memref<5x128x128xf32, #tpu.memory_space<vmem>> -> memref<1x128x128xf32, #tpu.memory_space<vmem>>
      %dma_start3A_780 = tpu.memref_squeeze %dma_start3A_779 : memref<1x128x128xf32, #tpu.memory_space<vmem>> -> memref<128x128xf32, #tpu.memory_space<vmem>>
      %dma_start3A_781 = arith.constant 0 : i32
      %dma_start3A_782 = tpu.memref_slice %arg5[%add3A_774, %dma_start3A_781] : memref<50x128xi32, #tpu.memory_space<vmem>> -> memref<1x128xi32, #tpu.memory_space<vmem>>
      %dma_start3A_783 = tpu.memref_squeeze %dma_start3A_782 : memref<1x128xi32, #tpu.memory_space<vmem>> -> memref<128xi32, #tpu.memory_space<vmem>>
      %dma_start3A_784 = arith.constant 0 : i32
      %dma_start3A_785 = arith.constant 0 : i32
      %dma_start3A_786 = tpu.memref_slice %arg3[%dma_start3A_784, %dma_start3A_785] : memref<100000x128xf32, #tpu.memory_space<hbm>> -> memref<100000x128xf32, #tpu.memory_space<hbm>>
      %dma_start3A_787 = tpu.memref_slice %arg7[%dma_start3A_776] : memref<5x!tpu.dma_semaphore, #tpu.memory_space<semaphore_mem>> -> memref<1x!tpu.dma_semaphore, #tpu.memory_space<semaphore_mem>>
      %dma_start3A_788 = tpu.memref_squeeze %dma_start3A_787 : memref<1x!tpu.dma_semaphore, #tpu.memory_space<semaphore_mem>> -> memref<!tpu.dma_semaphore, #tpu.memory_space<semaphore_mem>>
      tpu.enqueue_indirect_dma source(%dma_start3A_786 : memref<100000x128xf32, #tpu.memory_space<hbm>>) target(%dma_start3A_780 : memref<128x128xf32, #tpu.memory_space<vmem>>) offsets(%dma_start3A_783 : memref<128xi32, #tpu.memory_space<vmem>>) semaphore(%dma_start3A_788 : memref<!tpu.dma_semaphore, #tpu.memory_space<semaphore_mem>>)
    }
    %scan3A_81 = arith.constant 9 : i32
    %dma_wait3A = arith.constant 0 : i32
    %dma_wait3A_82 = arith.constant 0 : i32
    %dma_wait3A_83 = arith.constant 0 : i32
    %dma_wait3A_84 = arith.constant 0 : i32
    %dma_wait3A_85 = arith.constant 0 : i32
    %dma_wait3A_86 = tpu.memref_slice %arg6[%dma_wait3A_82, %dma_wait3A_84, %dma_wait3A_85] : memref<5x128x128xf32, #tpu.memory_space<vmem>> -> memref<1x128x128xf32, #tpu.memory_space<vmem>>
    %dma_wait3A_87 = tpu.memref_squeeze %dma_wait3A_86 : memref<1x128x128xf32, #tpu.memory_space<vmem>> -> memref<128x128xf32, #tpu.memory_space<vmem>>
    %dma_wait3A_88 = arith.constant 0 : i32
    %dma_wait3A_89 = arith.constant 0 : i32
    %dma_wait3A_90 = tpu.memref_slice %arg4[%dma_wait3A, %dma_wait3A_88, %dma_wait3A_89] : memref<50x4096x128xf32, #tpu.memory_space<hbm>> -> memref<1x128x128xf32, #tpu.memory_space<hbm>>
    %dma_wait3A_91 = tpu.memref_squeeze %dma_wait3A_90 : memref<1x128x128xf32, #tpu.memory_space<hbm>> -> memref<128x128xf32, #tpu.memory_space<hbm>>
    %dma_wait3A_92 = tpu.memref_slice %arg7[%dma_wait3A_83] : memref<5x!tpu.dma_semaphore, #tpu.memory_space<semaphore_mem>> -> memref<1x!tpu.dma_semaphore, #tpu.memory_space<semaphore_mem>>
    %dma_wait3A_93 = tpu.memref_squeeze %dma_wait3A_92 : memref<1x!tpu.dma_semaphore, #tpu.memory_space<semaphore_mem>> -> memref<!tpu.dma_semaphore, #tpu.memory_space<semaphore_mem>>
    %dma_wait3A_94 = arith.constant 0 : i32
    %dma_wait3A_95 = arith.constant 0 : i32
    %dma_wait3A_96 = tpu.memref_slice %arg6[%dma_wait3A_82, %dma_wait3A_94, %dma_wait3A_95] : memref<5x128x128xf32, #tpu.memory_space<vmem>> -> memref<1x128x128xf32, #tpu.memory_space<vmem>>
    %dma_wait3A_97 = tpu.memref_squeeze %dma_wait3A_96 : memref<1x128x128xf32, #tpu.memory_space<vmem>> -> memref<128x128xf32, #tpu.memory_space<vmem>>
    %dma_wait3A_98 = arith.constant 0 : i32
    %dma_wait3A_99 = arith.constant 0 : i32
    %dma_wait3A_100 = tpu.memref_slice %arg4[%dma_wait3A, %dma_wait3A_98, %dma_wait3A_99] : memref<50x4096x128xf32, #tpu.memory_space<hbm>> -> memref<1x128x128xf32, #tpu.memory_space<hbm>>
    %dma_wait3A_101 = tpu.memref_squeeze %dma_wait3A_100 : memref<1x128x128xf32, #tpu.memory_space<hbm>> -> memref<128x128xf32, #tpu.memory_space<hbm>>
    tpu.wait_dma2 semaphore(%dma_wait3A_93 : memref<!tpu.dma_semaphore, #tpu.memory_space<semaphore_mem>>) src(%dma_wait3A_101 : memref<128x128xf32, #tpu.memory_space<hbm>>) dst(%dma_wait3A_97 : memref<128x128xf32, #tpu.memory_space<vmem>>)
    %dma_start3A_102 = arith.constant 0 : i32
    %dma_start3A_103 = arith.constant 45 : i32
    %dma_start3A_104 = arith.constant 0 : i32
    %dma_start3A_105 = arith.constant 0 : i32
    %dma_start3A_106 = arith.constant 0 : i32
    %dma_start3A_107 = tpu.memref_slice %arg6[%dma_start3A_102, %dma_start3A_105, %dma_start3A_106] : memref<5x128x128xf32, #tpu.memory_space<vmem>> -> memref<1x128x128xf32, #tpu.memory_space<vmem>>
    %dma_start3A_108 = tpu.memref_squeeze %dma_start3A_107 : memref<1x128x128xf32, #tpu.memory_space<vmem>> -> memref<128x128xf32, #tpu.memory_space<vmem>>
    %dma_start3A_109 = arith.constant 0 : i32
    %dma_start3A_110 = tpu.memref_slice %arg4[%dma_start3A_103, %mul3A_2, %dma_start3A_109] : memref<50x4096x128xf32, #tpu.memory_space<hbm>> -> memref<1x128x128xf32, #tpu.memory_space<hbm>>
    %dma_start3A_111 = tpu.memref_squeeze %dma_start3A_110 : memref<1x128x128xf32, #tpu.memory_space<hbm>> -> memref<128x128xf32, #tpu.memory_space<hbm>>
    %dma_start3A_112 = tpu.memref_slice %arg8[%dma_start3A_104] : memref<5x!tpu.dma_semaphore, #tpu.memory_space<semaphore_mem>> -> memref<1x!tpu.dma_semaphore, #tpu.memory_space<semaphore_mem>>
    %dma_start3A_113 = tpu.memref_squeeze %dma_start3A_112 : memref<1x!tpu.dma_semaphore, #tpu.memory_space<semaphore_mem>> -> memref<!tpu.dma_semaphore, #tpu.memory_space<semaphore_mem>>
    %dma_start3A_114 = arith.constant 0 : i32
    %dma_start3A_115 = tpu.memref_slice %arg4[%dma_start3A_103, %mul3A_2, %dma_start3A_114] : memref<50x4096x128xf32, #tpu.memory_space<hbm>> -> memref<1x128x128xf32, #tpu.memory_space<hbm>>
    %dma_start3A_116 = tpu.memref_squeeze %dma_start3A_115 : memref<1x128x128xf32, #tpu.memory_space<hbm>> -> memref<128x128xf32, #tpu.memory_space<hbm>>
    %dma_start3A_117 = arith.constant 0 : i32
    %dma_start3A_118 = arith.constant 0 : i32
    %dma_start3A_119 = tpu.memref_slice %arg6[%dma_start3A_102, %dma_start3A_117, %dma_start3A_118] : memref<5x128x128xf32, #tpu.memory_space<vmem>> -> memref<1x128x128xf32, #tpu.memory_space<vmem>>
    %dma_start3A_120 = tpu.memref_squeeze %dma_start3A_119 : memref<1x128x128xf32, #tpu.memory_space<vmem>> -> memref<128x128xf32, #tpu.memory_space<vmem>>
    tpu.enqueue_dma source(%dma_start3A_120 : memref<128x128xf32, #tpu.memory_space<vmem>>) target(%dma_start3A_116 : memref<128x128xf32, #tpu.memory_space<hbm>>) target_semaphore(%dma_start3A_113 : memref<!tpu.dma_semaphore, #tpu.memory_space<semaphore_mem>>)
    %dma_wait3A_121 = arith.constant 0 : i32
    %dma_wait3A_122 = arith.constant 1 : i32
    %dma_wait3A_123 = arith.constant 1 : i32
    %dma_wait3A_124 = arith.constant 0 : i32
    %dma_wait3A_125 = arith.constant 0 : i32
    %dma_wait3A_126 = tpu.memref_slice %arg6[%dma_wait3A_122, %dma_wait3A_124, %dma_wait3A_125] : memref<5x128x128xf32, #tpu.memory_space<vmem>> -> memref<1x128x128xf32, #tpu.memory_space<vmem>>
    %dma_wait3A_127 = tpu.memref_squeeze %dma_wait3A_126 : memref<1x128x128xf32, #tpu.memory_space<vmem>> -> memref<128x128xf32, #tpu.memory_space<vmem>>
    %dma_wait3A_128 = arith.constant 0 : i32
    %dma_wait3A_129 = arith.constant 0 : i32
    %dma_wait3A_130 = tpu.memref_slice %arg4[%dma_wait3A_121, %dma_wait3A_128, %dma_wait3A_129] : memref<50x4096x128xf32, #tpu.memory_space<hbm>> -> memref<1x128x128xf32, #tpu.memory_space<hbm>>
    %dma_wait3A_131 = tpu.memref_squeeze %dma_wait3A_130 : memref<1x128x128xf32, #tpu.memory_space<hbm>> -> memref<128x128xf32, #tpu.memory_space<hbm>>
    %dma_wait3A_132 = tpu.memref_slice %arg7[%dma_wait3A_123] : memref<5x!tpu.dma_semaphore, #tpu.memory_space<semaphore_mem>> -> memref<1x!tpu.dma_semaphore, #tpu.memory_space<semaphore_mem>>
    %dma_wait3A_133 = tpu.memref_squeeze %dma_wait3A_132 : memref<1x!tpu.dma_semaphore, #tpu.memory_space<semaphore_mem>> -> memref<!tpu.dma_semaphore, #tpu.memory_space<semaphore_mem>>
    %dma_wait3A_134 = arith.constant 0 : i32
    %dma_wait3A_135 = arith.constant 0 : i32
    %dma_wait3A_136 = tpu.memref_slice %arg6[%dma_wait3A_122, %dma_wait3A_134, %dma_wait3A_135] : memref<5x128x128xf32, #tpu.memory_space<vmem>> -> memref<1x128x128xf32, #tpu.memory_space<vmem>>
    %dma_wait3A_137 = tpu.memref_squeeze %dma_wait3A_136 : memref<1x128x128xf32, #tpu.memory_space<vmem>> -> memref<128x128xf32, #tpu.memory_space<vmem>>
    %dma_wait3A_138 = arith.constant 0 : i32
    %dma_wait3A_139 = arith.constant 0 : i32
    %dma_wait3A_140 = tpu.memref_slice %arg4[%dma_wait3A_121, %dma_wait3A_138, %dma_wait3A_139] : memref<50x4096x128xf32, #tpu.memory_space<hbm>> -> memref<1x128x128xf32, #tpu.memory_space<hbm>>
    %dma_wait3A_141 = tpu.memref_squeeze %dma_wait3A_140 : memref<1x128x128xf32, #tpu.memory_space<hbm>> -> memref<128x128xf32, #tpu.memory_space<hbm>>
    tpu.wait_dma2 semaphore(%dma_wait3A_133 : memref<!tpu.dma_semaphore, #tpu.memory_space<semaphore_mem>>) src(%dma_wait3A_141 : memref<128x128xf32, #tpu.memory_space<hbm>>) dst(%dma_wait3A_137 : memref<128x128xf32, #tpu.memory_space<vmem>>)
    %dma_start3A_142 = arith.constant 1 : i32
    %dma_start3A_143 = arith.constant 46 : i32
    %dma_start3A_144 = arith.constant 1 : i32
    %dma_start3A_145 = arith.constant 0 : i32
    %dma_start3A_146 = arith.constant 0 : i32
    %dma_start3A_147 = tpu.memref_slice %arg6[%dma_start3A_142, %dma_start3A_145, %dma_start3A_146] : memref<5x128x128xf32, #tpu.memory_space<vmem>> -> memref<1x128x128xf32, #tpu.memory_space<vmem>>
    %dma_start3A_148 = tpu.memref_squeeze %dma_start3A_147 : memref<1x128x128xf32, #tpu.memory_space<vmem>> -> memref<128x128xf32, #tpu.memory_space<vmem>>
    %dma_start3A_149 = arith.constant 0 : i32
    %dma_start3A_150 = tpu.memref_slice %arg4[%dma_start3A_143, %mul3A_2, %dma_start3A_149] : memref<50x4096x128xf32, #tpu.memory_space<hbm>> -> memref<1x128x128xf32, #tpu.memory_space<hbm>>
    %dma_start3A_151 = tpu.memref_squeeze %dma_start3A_150 : memref<1x128x128xf32, #tpu.memory_space<hbm>> -> memref<128x128xf32, #tpu.memory_space<hbm>>
    %dma_start3A_152 = tpu.memref_slice %arg8[%dma_start3A_144] : memref<5x!tpu.dma_semaphore, #tpu.memory_space<semaphore_mem>> -> memref<1x!tpu.dma_semaphore, #tpu.memory_space<semaphore_mem>>
    %dma_start3A_153 = tpu.memref_squeeze %dma_start3A_152 : memref<1x!tpu.dma_semaphore, #tpu.memory_space<semaphore_mem>> -> memref<!tpu.dma_semaphore, #tpu.memory_space<semaphore_mem>>
    %dma_start3A_154 = arith.constant 0 : i32
    %dma_start3A_155 = tpu.memref_slice %arg4[%dma_start3A_143, %mul3A_2, %dma_start3A_154] : memref<50x4096x128xf32, #tpu.memory_space<hbm>> -> memref<1x128x128xf32, #tpu.memory_space<hbm>>
    %dma_start3A_156 = tpu.memref_squeeze %dma_start3A_155 : memref<1x128x128xf32, #tpu.memory_space<hbm>> -> memref<128x128xf32, #tpu.memory_space<hbm>>
    %dma_start3A_157 = arith.constant 0 : i32
    %dma_start3A_158 = arith.constant 0 : i32
    %dma_start3A_159 = tpu.memref_slice %arg6[%dma_start3A_142, %dma_start3A_157, %dma_start3A_158] : memref<5x128x128xf32, #tpu.memory_space<vmem>> -> memref<1x128x128xf32, #tpu.memory_space<vmem>>
    %dma_start3A_160 = tpu.memref_squeeze %dma_start3A_159 : memref<1x128x128xf32, #tpu.memory_space<vmem>> -> memref<128x128xf32, #tpu.memory_space<vmem>>
    tpu.enqueue_dma source(%dma_start3A_160 : memref<128x128xf32, #tpu.memory_space<vmem>>) target(%dma_start3A_156 : memref<128x128xf32, #tpu.memory_space<hbm>>) target_semaphore(%dma_start3A_153 : memref<!tpu.dma_semaphore, #tpu.memory_space<semaphore_mem>>)
    %dma_wait3A_161 = arith.constant 0 : i32
    %dma_wait3A_162 = arith.constant 2 : i32
    %dma_wait3A_163 = arith.constant 2 : i32
    %dma_wait3A_164 = arith.constant 0 : i32
    %dma_wait3A_165 = arith.constant 0 : i32
    %dma_wait3A_166 = tpu.memref_slice %arg6[%dma_wait3A_162, %dma_wait3A_164, %dma_wait3A_165] : memref<5x128x128xf32, #tpu.memory_space<vmem>> -> memref<1x128x128xf32, #tpu.memory_space<vmem>>
    %dma_wait3A_167 = tpu.memref_squeeze %dma_wait3A_166 : memref<1x128x128xf32, #tpu.memory_space<vmem>> -> memref<128x128xf32, #tpu.memory_space<vmem>>
    %dma_wait3A_168 = arith.constant 0 : i32
    %dma_wait3A_169 = arith.constant 0 : i32
    %dma_wait3A_170 = tpu.memref_slice %arg4[%dma_wait3A_161, %dma_wait3A_168, %dma_wait3A_169] : memref<50x4096x128xf32, #tpu.memory_space<hbm>> -> memref<1x128x128xf32, #tpu.memory_space<hbm>>
    %dma_wait3A_171 = tpu.memref_squeeze %dma_wait3A_170 : memref<1x128x128xf32, #tpu.memory_space<hbm>> -> memref<128x128xf32, #tpu.memory_space<hbm>>
    %dma_wait3A_172 = tpu.memref_slice %arg7[%dma_wait3A_163] : memref<5x!tpu.dma_semaphore, #tpu.memory_space<semaphore_mem>> -> memref<1x!tpu.dma_semaphore, #tpu.memory_space<semaphore_mem>>
    %dma_wait3A_173 = tpu.memref_squeeze %dma_wait3A_172 : memref<1x!tpu.dma_semaphore, #tpu.memory_space<semaphore_mem>> -> memref<!tpu.dma_semaphore, #tpu.memory_space<semaphore_mem>>
    %dma_wait3A_174 = arith.constant 0 : i32
    %dma_wait3A_175 = arith.constant 0 : i32
    %dma_wait3A_176 = tpu.memref_slice %arg6[%dma_wait3A_162, %dma_wait3A_174, %dma_wait3A_175] : memref<5x128x128xf32, #tpu.memory_space<vmem>> -> memref<1x128x128xf32, #tpu.memory_space<vmem>>
    %dma_wait3A_177 = tpu.memref_squeeze %dma_wait3A_176 : memref<1x128x128xf32, #tpu.memory_space<vmem>> -> memref<128x128xf32, #tpu.memory_space<vmem>>
    %dma_wait3A_178 = arith.constant 0 : i32
    %dma_wait3A_179 = arith.constant 0 : i32
    %dma_wait3A_180 = tpu.memref_slice %arg4[%dma_wait3A_161, %dma_wait3A_178, %dma_wait3A_179] : memref<50x4096x128xf32, #tpu.memory_space<hbm>> -> memref<1x128x128xf32, #tpu.memory_space<hbm>>
    %dma_wait3A_181 = tpu.memref_squeeze %dma_wait3A_180 : memref<1x128x128xf32, #tpu.memory_space<hbm>> -> memref<128x128xf32, #tpu.memory_space<hbm>>
    tpu.wait_dma2 semaphore(%dma_wait3A_173 : memref<!tpu.dma_semaphore, #tpu.memory_space<semaphore_mem>>) src(%dma_wait3A_181 : memref<128x128xf32, #tpu.memory_space<hbm>>) dst(%dma_wait3A_177 : memref<128x128xf32, #tpu.memory_space<vmem>>)
    %dma_start3A_182 = arith.constant 2 : i32
    %dma_start3A_183 = arith.constant 47 : i32
    %dma_start3A_184 = arith.constant 2 : i32
    %dma_start3A_185 = arith.constant 0 : i32
    %dma_start3A_186 = arith.constant 0 : i32
    %dma_start3A_187 = tpu.memref_slice %arg6[%dma_start3A_182, %dma_start3A_185, %dma_start3A_186] : memref<5x128x128xf32, #tpu.memory_space<vmem>> -> memref<1x128x128xf32, #tpu.memory_space<vmem>>
    %dma_start3A_188 = tpu.memref_squeeze %dma_start3A_187 : memref<1x128x128xf32, #tpu.memory_space<vmem>> -> memref<128x128xf32, #tpu.memory_space<vmem>>
    %dma_start3A_189 = arith.constant 0 : i32
    %dma_start3A_190 = tpu.memref_slice %arg4[%dma_start3A_183, %mul3A_2, %dma_start3A_189] : memref<50x4096x128xf32, #tpu.memory_space<hbm>> -> memref<1x128x128xf32, #tpu.memory_space<hbm>>
    %dma_start3A_191 = tpu.memref_squeeze %dma_start3A_190 : memref<1x128x128xf32, #tpu.memory_space<hbm>> -> memref<128x128xf32, #tpu.memory_space<hbm>>
    %dma_start3A_192 = tpu.memref_slice %arg8[%dma_start3A_184] : memref<5x!tpu.dma_semaphore, #tpu.memory_space<semaphore_mem>> -> memref<1x!tpu.dma_semaphore, #tpu.memory_space<semaphore_mem>>
    %dma_start3A_193 = tpu.memref_squeeze %dma_start3A_192 : memref<1x!tpu.dma_semaphore, #tpu.memory_space<semaphore_mem>> -> memref<!tpu.dma_semaphore, #tpu.memory_space<semaphore_mem>>
    %dma_start3A_194 = arith.constant 0 : i32
    %dma_start3A_195 = tpu.memref_slice %arg4[%dma_start3A_183, %mul3A_2, %dma_start3A_194] : memref<50x4096x128xf32, #tpu.memory_space<hbm>> -> memref<1x128x128xf32, #tpu.memory_space<hbm>>
    %dma_start3A_196 = tpu.memref_squeeze %dma_start3A_195 : memref<1x128x128xf32, #tpu.memory_space<hbm>> -> memref<128x128xf32, #tpu.memory_space<hbm>>
    %dma_start3A_197 = arith.constant 0 : i32
    %dma_start3A_198 = arith.constant 0 : i32
    %dma_start3A_199 = tpu.memref_slice %arg6[%dma_start3A_182, %dma_start3A_197, %dma_start3A_198] : memref<5x128x128xf32, #tpu.memory_space<vmem>> -> memref<1x128x128xf32, #tpu.memory_space<vmem>>
    %dma_start3A_200 = tpu.memref_squeeze %dma_start3A_199 : memref<1x128x128xf32, #tpu.memory_space<vmem>> -> memref<128x128xf32, #tpu.memory_space<vmem>>
    tpu.enqueue_dma source(%dma_start3A_200 : memref<128x128xf32, #tpu.memory_space<vmem>>) target(%dma_start3A_196 : memref<128x128xf32, #tpu.memory_space<hbm>>) target_semaphore(%dma_start3A_193 : memref<!tpu.dma_semaphore, #tpu.memory_space<semaphore_mem>>)
    %dma_wait3A_201 = arith.constant 0 : i32
    %dma_wait3A_202 = arith.constant 3 : i32
    %dma_wait3A_203 = arith.constant 3 : i32
    %dma_wait3A_204 = arith.constant 0 : i32
    %dma_wait3A_205 = arith.constant 0 : i32
    %dma_wait3A_206 = tpu.memref_slice %arg6[%dma_wait3A_202, %dma_wait3A_204, %dma_wait3A_205] : memref<5x128x128xf32, #tpu.memory_space<vmem>> -> memref<1x128x128xf32, #tpu.memory_space<vmem>>
    %dma_wait3A_207 = tpu.memref_squeeze %dma_wait3A_206 : memref<1x128x128xf32, #tpu.memory_space<vmem>> -> memref<128x128xf32, #tpu.memory_space<vmem>>
    %dma_wait3A_208 = arith.constant 0 : i32
    %dma_wait3A_209 = arith.constant 0 : i32
    %dma_wait3A_210 = tpu.memref_slice %arg4[%dma_wait3A_201, %dma_wait3A_208, %dma_wait3A_209] : memref<50x4096x128xf32, #tpu.memory_space<hbm>> -> memref<1x128x128xf32, #tpu.memory_space<hbm>>
    %dma_wait3A_211 = tpu.memref_squeeze %dma_wait3A_210 : memref<1x128x128xf32, #tpu.memory_space<hbm>> -> memref<128x128xf32, #tpu.memory_space<hbm>>
    %dma_wait3A_212 = tpu.memref_slice %arg7[%dma_wait3A_203] : memref<5x!tpu.dma_semaphore, #tpu.memory_space<semaphore_mem>> -> memref<1x!tpu.dma_semaphore, #tpu.memory_space<semaphore_mem>>
    %dma_wait3A_213 = tpu.memref_squeeze %dma_wait3A_212 : memref<1x!tpu.dma_semaphore, #tpu.memory_space<semaphore_mem>> -> memref<!tpu.dma_semaphore, #tpu.memory_space<semaphore_mem>>
    %dma_wait3A_214 = arith.constant 0 : i32
    %dma_wait3A_215 = arith.constant 0 : i32
    %dma_wait3A_216 = tpu.memref_slice %arg6[%dma_wait3A_202, %dma_wait3A_214, %dma_wait3A_215] : memref<5x128x128xf32, #tpu.memory_space<vmem>> -> memref<1x128x128xf32, #tpu.memory_space<vmem>>
    %dma_wait3A_217 = tpu.memref_squeeze %dma_wait3A_216 : memref<1x128x128xf32, #tpu.memory_space<vmem>> -> memref<128x128xf32, #tpu.memory_space<vmem>>
    %dma_wait3A_218 = arith.constant 0 : i32
    %dma_wait3A_219 = arith.constant 0 : i32
    %dma_wait3A_220 = tpu.memref_slice %arg4[%dma_wait3A_201, %dma_wait3A_218, %dma_wait3A_219] : memref<50x4096x128xf32, #tpu.memory_space<hbm>> -> memref<1x128x128xf32, #tpu.memory_space<hbm>>
    %dma_wait3A_221 = tpu.memref_squeeze %dma_wait3A_220 : memref<1x128x128xf32, #tpu.memory_space<hbm>> -> memref<128x128xf32, #tpu.memory_space<hbm>>
    tpu.wait_dma2 semaphore(%dma_wait3A_213 : memref<!tpu.dma_semaphore, #tpu.memory_space<semaphore_mem>>) src(%dma_wait3A_221 : memref<128x128xf32, #tpu.memory_space<hbm>>) dst(%dma_wait3A_217 : memref<128x128xf32, #tpu.memory_space<vmem>>)
    %dma_start3A_222 = arith.constant 3 : i32
    %dma_start3A_223 = arith.constant 48 : i32
    %dma_start3A_224 = arith.constant 3 : i32
    %dma_start3A_225 = arith.constant 0 : i32
    %dma_start3A_226 = arith.constant 0 : i32
    %dma_start3A_227 = tpu.memref_slice %arg6[%dma_start3A_222, %dma_start3A_225, %dma_start3A_226] : memref<5x128x128xf32, #tpu.memory_space<vmem>> -> memref<1x128x128xf32, #tpu.memory_space<vmem>>
    %dma_start3A_228 = tpu.memref_squeeze %dma_start3A_227 : memref<1x128x128xf32, #tpu.memory_space<vmem>> -> memref<128x128xf32, #tpu.memory_space<vmem>>
    %dma_start3A_229 = arith.constant 0 : i32
    %dma_start3A_230 = tpu.memref_slice %arg4[%dma_start3A_223, %mul3A_2, %dma_start3A_229] : memref<50x4096x128xf32, #tpu.memory_space<hbm>> -> memref<1x128x128xf32, #tpu.memory_space<hbm>>
    %dma_start3A_231 = tpu.memref_squeeze %dma_start3A_230 : memref<1x128x128xf32, #tpu.memory_space<hbm>> -> memref<128x128xf32, #tpu.memory_space<hbm>>
    %dma_start3A_232 = tpu.memref_slice %arg8[%dma_start3A_224] : memref<5x!tpu.dma_semaphore, #tpu.memory_space<semaphore_mem>> -> memref<1x!tpu.dma_semaphore, #tpu.memory_space<semaphore_mem>>
    %dma_start3A_233 = tpu.memref_squeeze %dma_start3A_232 : memref<1x!tpu.dma_semaphore, #tpu.memory_space<semaphore_mem>> -> memref<!tpu.dma_semaphore, #tpu.memory_space<semaphore_mem>>
    %dma_start3A_234 = arith.constant 0 : i32
    %dma_start3A_235 = tpu.memref_slice %arg4[%dma_start3A_223, %mul3A_2, %dma_start3A_234] : memref<50x4096x128xf32, #tpu.memory_space<hbm>> -> memref<1x128x128xf32, #tpu.memory_space<hbm>>
    %dma_start3A_236 = tpu.memref_squeeze %dma_start3A_235 : memref<1x128x128xf32, #tpu.memory_space<hbm>> -> memref<128x128xf32, #tpu.memory_space<hbm>>
    %dma_start3A_237 = arith.constant 0 : i32
    %dma_start3A_238 = arith.constant 0 : i32
    %dma_start3A_239 = tpu.memref_slice %arg6[%dma_start3A_222, %dma_start3A_237, %dma_start3A_238] : memref<5x128x128xf32, #tpu.memory_space<vmem>> -> memref<1x128x128xf32, #tpu.memory_space<vmem>>
    %dma_start3A_240 = tpu.memref_squeeze %dma_start3A_239 : memref<1x128x128xf32, #tpu.memory_space<vmem>> -> memref<128x128xf32, #tpu.memory_space<vmem>>
    tpu.enqueue_dma source(%dma_start3A_240 : memref<128x128xf32, #tpu.memory_space<vmem>>) target(%dma_start3A_236 : memref<128x128xf32, #tpu.memory_space<hbm>>) target_semaphore(%dma_start3A_233 : memref<!tpu.dma_semaphore, #tpu.memory_space<semaphore_mem>>)
    %dma_wait3A_241 = arith.constant 0 : i32
    %dma_wait3A_242 = arith.constant 4 : i32
    %dma_wait3A_243 = arith.constant 4 : i32
    %dma_wait3A_244 = arith.constant 0 : i32
    %dma_wait3A_245 = arith.constant 0 : i32
    %dma_wait3A_246 = tpu.memref_slice %arg6[%dma_wait3A_242, %dma_wait3A_244, %dma_wait3A_245] : memref<5x128x128xf32, #tpu.memory_space<vmem>> -> memref<1x128x128xf32, #tpu.memory_space<vmem>>
    %dma_wait3A_247 = tpu.memref_squeeze %dma_wait3A_246 : memref<1x128x128xf32, #tpu.memory_space<vmem>> -> memref<128x128xf32, #tpu.memory_space<vmem>>
    %dma_wait3A_248 = arith.constant 0 : i32
    %dma_wait3A_249 = arith.constant 0 : i32
    %dma_wait3A_250 = tpu.memref_slice %arg4[%dma_wait3A_241, %dma_wait3A_248, %dma_wait3A_249] : memref<50x4096x128xf32, #tpu.memory_space<hbm>> -> memref<1x128x128xf32, #tpu.memory_space<hbm>>
    %dma_wait3A_251 = tpu.memref_squeeze %dma_wait3A_250 : memref<1x128x128xf32, #tpu.memory_space<hbm>> -> memref<128x128xf32, #tpu.memory_space<hbm>>
    %dma_wait3A_252 = tpu.memref_slice %arg7[%dma_wait3A_243] : memref<5x!tpu.dma_semaphore, #tpu.memory_space<semaphore_mem>> -> memref<1x!tpu.dma_semaphore, #tpu.memory_space<semaphore_mem>>
    %dma_wait3A_253 = tpu.memref_squeeze %dma_wait3A_252 : memref<1x!tpu.dma_semaphore, #tpu.memory_space<semaphore_mem>> -> memref<!tpu.dma_semaphore, #tpu.memory_space<semaphore_mem>>
    %dma_wait3A_254 = arith.constant 0 : i32
    %dma_wait3A_255 = arith.constant 0 : i32
    %dma_wait3A_256 = tpu.memref_slice %arg6[%dma_wait3A_242, %dma_wait3A_254, %dma_wait3A_255] : memref<5x128x128xf32, #tpu.memory_space<vmem>> -> memref<1x128x128xf32, #tpu.memory_space<vmem>>
    %dma_wait3A_257 = tpu.memref_squeeze %dma_wait3A_256 : memref<1x128x128xf32, #tpu.memory_space<vmem>> -> memref<128x128xf32, #tpu.memory_space<vmem>>
    %dma_wait3A_258 = arith.constant 0 : i32
    %dma_wait3A_259 = arith.constant 0 : i32
    %dma_wait3A_260 = tpu.memref_slice %arg4[%dma_wait3A_241, %dma_wait3A_258, %dma_wait3A_259] : memref<50x4096x128xf32, #tpu.memory_space<hbm>> -> memref<1x128x128xf32, #tpu.memory_space<hbm>>
    %dma_wait3A_261 = tpu.memref_squeeze %dma_wait3A_260 : memref<1x128x128xf32, #tpu.memory_space<hbm>> -> memref<128x128xf32, #tpu.memory_space<hbm>>
    tpu.wait_dma2 semaphore(%dma_wait3A_253 : memref<!tpu.dma_semaphore, #tpu.memory_space<semaphore_mem>>) src(%dma_wait3A_261 : memref<128x128xf32, #tpu.memory_space<hbm>>) dst(%dma_wait3A_257 : memref<128x128xf32, #tpu.memory_space<vmem>>)
    %dma_start3A_262 = arith.constant 4 : i32
    %dma_start3A_263 = arith.constant 49 : i32
    %dma_start3A_264 = arith.constant 4 : i32
    %dma_start3A_265 = arith.constant 0 : i32
    %dma_start3A_266 = arith.constant 0 : i32
    %dma_start3A_267 = tpu.memref_slice %arg6[%dma_start3A_262, %dma_start3A_265, %dma_start3A_266] : memref<5x128x128xf32, #tpu.memory_space<vmem>> -> memref<1x128x128xf32, #tpu.memory_space<vmem>>
    %dma_start3A_268 = tpu.memref_squeeze %dma_start3A_267 : memref<1x128x128xf32, #tpu.memory_space<vmem>> -> memref<128x128xf32, #tpu.memory_space<vmem>>
    %dma_start3A_269 = arith.constant 0 : i32
    %dma_start3A_270 = tpu.memref_slice %arg4[%dma_start3A_263, %mul3A_2, %dma_start3A_269] : memref<50x4096x128xf32, #tpu.memory_space<hbm>> -> memref<1x128x128xf32, #tpu.memory_space<hbm>>
    %dma_start3A_271 = tpu.memref_squeeze %dma_start3A_270 : memref<1x128x128xf32, #tpu.memory_space<hbm>> -> memref<128x128xf32, #tpu.memory_space<hbm>>
    %dma_start3A_272 = tpu.memref_slice %arg8[%dma_start3A_264] : memref<5x!tpu.dma_semaphore, #tpu.memory_space<semaphore_mem>> -> memref<1x!tpu.dma_semaphore, #tpu.memory_space<semaphore_mem>>
    %dma_start3A_273 = tpu.memref_squeeze %dma_start3A_272 : memref<1x!tpu.dma_semaphore, #tpu.memory_space<semaphore_mem>> -> memref<!tpu.dma_semaphore, #tpu.memory_space<semaphore_mem>>
    %dma_start3A_274 = arith.constant 0 : i32
    %dma_start3A_275 = tpu.memref_slice %arg4[%dma_start3A_263, %mul3A_2, %dma_start3A_274] : memref<50x4096x128xf32, #tpu.memory_space<hbm>> -> memref<1x128x128xf32, #tpu.memory_space<hbm>>
    %dma_start3A_276 = tpu.memref_squeeze %dma_start3A_275 : memref<1x128x128xf32, #tpu.memory_space<hbm>> -> memref<128x128xf32, #tpu.memory_space<hbm>>
    %dma_start3A_277 = arith.constant 0 : i32
    %dma_start3A_278 = arith.constant 0 : i32
    %dma_start3A_279 = tpu.memref_slice %arg6[%dma_start3A_262, %dma_start3A_277, %dma_start3A_278] : memref<5x128x128xf32, #tpu.memory_space<vmem>> -> memref<1x128x128xf32, #tpu.memory_space<vmem>>
    %dma_start3A_280 = tpu.memref_squeeze %dma_start3A_279 : memref<1x128x128xf32, #tpu.memory_space<vmem>> -> memref<128x128xf32, #tpu.memory_space<vmem>>
    tpu.enqueue_dma source(%dma_start3A_280 : memref<128x128xf32, #tpu.memory_space<vmem>>) target(%dma_start3A_276 : memref<128x128xf32, #tpu.memory_space<hbm>>) target_semaphore(%dma_start3A_273 : memref<!tpu.dma_semaphore, #tpu.memory_space<semaphore_mem>>)
    %dma_wait3A_281 = arith.constant 0 : i32
    %dma_wait3A_282 = arith.constant 0 : i32
    %dma_wait3A_283 = arith.constant 0 : i32
    %dma_wait3A_284 = arith.constant 0 : i32
    %dma_wait3A_285 = arith.constant 0 : i32
    %dma_wait3A_286 = tpu.memref_slice %arg6[%dma_wait3A_281, %dma_wait3A_284, %dma_wait3A_285] : memref<5x128x128xf32, #tpu.memory_space<vmem>> -> memref<1x128x128xf32, #tpu.memory_space<vmem>>
    %dma_wait3A_287 = tpu.memref_squeeze %dma_wait3A_286 : memref<1x128x128xf32, #tpu.memory_space<vmem>> -> memref<128x128xf32, #tpu.memory_space<vmem>>
    %dma_wait3A_288 = arith.constant 0 : i32
    %dma_wait3A_289 = arith.constant 0 : i32
    %dma_wait3A_290 = tpu.memref_slice %arg4[%dma_wait3A_282, %dma_wait3A_288, %dma_wait3A_289] : memref<50x4096x128xf32, #tpu.memory_space<hbm>> -> memref<1x128x128xf32, #tpu.memory_space<hbm>>
    %dma_wait3A_291 = tpu.memref_squeeze %dma_wait3A_290 : memref<1x128x128xf32, #tpu.memory_space<hbm>> -> memref<128x128xf32, #tpu.memory_space<hbm>>
    %dma_wait3A_292 = tpu.memref_slice %arg8[%dma_wait3A_283] : memref<5x!tpu.dma_semaphore, #tpu.memory_space<semaphore_mem>> -> memref<1x!tpu.dma_semaphore, #tpu.memory_space<semaphore_mem>>
    %dma_wait3A_293 = tpu.memref_squeeze %dma_wait3A_292 : memref<1x!tpu.dma_semaphore, #tpu.memory_space<semaphore_mem>> -> memref<!tpu.dma_semaphore, #tpu.memory_space<semaphore_mem>>
    %dma_wait3A_294 = arith.constant 0 : i32
    %dma_wait3A_295 = arith.constant 0 : i32
    %dma_wait3A_296 = tpu.memref_slice %arg4[%dma_wait3A_282, %dma_wait3A_294, %dma_wait3A_295] : memref<50x4096x128xf32, #tpu.memory_space<hbm>> -> memref<1x128x128xf32, #tpu.memory_space<hbm>>
    %dma_wait3A_297 = tpu.memref_squeeze %dma_wait3A_296 : memref<1x128x128xf32, #tpu.memory_space<hbm>> -> memref<128x128xf32, #tpu.memory_space<hbm>>
    %dma_wait3A_298 = arith.constant 0 : i32
    %dma_wait3A_299 = arith.constant 0 : i32
    %dma_wait3A_300 = tpu.memref_slice %arg6[%dma_wait3A_281, %dma_wait3A_298, %dma_wait3A_299] : memref<5x128x128xf32, #tpu.memory_space<vmem>> -> memref<1x128x128xf32, #tpu.memory_space<vmem>>
    %dma_wait3A_301 = tpu.memref_squeeze %dma_wait3A_300 : memref<1x128x128xf32, #tpu.memory_space<vmem>> -> memref<128x128xf32, #tpu.memory_space<vmem>>
    tpu.wait_dma2 semaphore(%dma_wait3A_293 : memref<!tpu.dma_semaphore, #tpu.memory_space<semaphore_mem>>) src(%dma_wait3A_301 : memref<128x128xf32, #tpu.memory_space<vmem>>) dst(%dma_wait3A_297 : memref<128x128xf32, #tpu.memory_space<hbm>>)
    %dma_wait3A_302 = arith.constant 1 : i32
    %dma_wait3A_303 = arith.constant 0 : i32
    %dma_wait3A_304 = arith.constant 1 : i32
    %dma_wait3A_305 = arith.constant 0 : i32
    %dma_wait3A_306 = arith.constant 0 : i32
    %dma_wait3A_307 = tpu.memref_slice %arg6[%dma_wait3A_302, %dma_wait3A_305, %dma_wait3A_306] : memref<5x128x128xf32, #tpu.memory_space<vmem>> -> memref<1x128x128xf32, #tpu.memory_space<vmem>>
    %dma_wait3A_308 = tpu.memref_squeeze %dma_wait3A_307 : memref<1x128x128xf32, #tpu.memory_space<vmem>> -> memref<128x128xf32, #tpu.memory_space<vmem>>
    %dma_wait3A_309 = arith.constant 0 : i32
    %dma_wait3A_310 = arith.constant 0 : i32
    %dma_wait3A_311 = tpu.memref_slice %arg4[%dma_wait3A_303, %dma_wait3A_309, %dma_wait3A_310] : memref<50x4096x128xf32, #tpu.memory_space<hbm>> -> memref<1x128x128xf32, #tpu.memory_space<hbm>>
    %dma_wait3A_312 = tpu.memref_squeeze %dma_wait3A_311 : memref<1x128x128xf32, #tpu.memory_space<hbm>> -> memref<128x128xf32, #tpu.memory_space<hbm>>
    %dma_wait3A_313 = tpu.memref_slice %arg8[%dma_wait3A_304] : memref<5x!tpu.dma_semaphore, #tpu.memory_space<semaphore_mem>> -> memref<1x!tpu.dma_semaphore, #tpu.memory_space<semaphore_mem>>
    %dma_wait3A_314 = tpu.memref_squeeze %dma_wait3A_313 : memref<1x!tpu.dma_semaphore, #tpu.memory_space<semaphore_mem>> -> memref<!tpu.dma_semaphore, #tpu.memory_space<semaphore_mem>>
    %dma_wait3A_315 = arith.constant 0 : i32
    %dma_wait3A_316 = arith.constant 0 : i32
    %dma_wait3A_317 = tpu.memref_slice %arg4[%dma_wait3A_303, %dma_wait3A_315, %dma_wait3A_316] : memref<50x4096x128xf32, #tpu.memory_space<hbm>> -> memref<1x128x128xf32, #tpu.memory_space<hbm>>
    %dma_wait3A_318 = tpu.memref_squeeze %dma_wait3A_317 : memref<1x128x128xf32, #tpu.memory_space<hbm>> -> memref<128x128xf32, #tpu.memory_space<hbm>>
    %dma_wait3A_319 = arith.constant 0 : i32
    %dma_wait3A_320 = arith.constant 0 : i32
    %dma_wait3A_321 = tpu.memref_slice %arg6[%dma_wait3A_302, %dma_wait3A_319, %dma_wait3A_320] : memref<5x128x128xf32, #tpu.memory_space<vmem>> -> memref<1x128x128xf32, #tpu.memory_space<vmem>>
    %dma_wait3A_322 = tpu.memref_squeeze %dma_wait3A_321 : memref<1x128x128xf32, #tpu.memory_space<vmem>> -> memref<128x128xf32, #tpu.memory_space<vmem>>
    tpu.wait_dma2 semaphore(%dma_wait3A_314 : memref<!tpu.dma_semaphore, #tpu.memory_space<semaphore_mem>>) src(%dma_wait3A_322 : memref<128x128xf32, #tpu.memory_space<vmem>>) dst(%dma_wait3A_318 : memref<128x128xf32, #tpu.memory_space<hbm>>)
    %dma_wait3A_323 = arith.constant 2 : i32
    %dma_wait3A_324 = arith.constant 0 : i32
    %dma_wait3A_325 = arith.constant 2 : i32
    %dma_wait3A_326 = arith.constant 0 : i32
    %dma_wait3A_327 = arith.constant 0 : i32
    %dma_wait3A_328 = tpu.memref_slice %arg6[%dma_wait3A_323, %dma_wait3A_326, %dma_wait3A_327] : memref<5x128x128xf32, #tpu.memory_space<vmem>> -> memref<1x128x128xf32, #tpu.memory_space<vmem>>
    %dma_wait3A_329 = tpu.memref_squeeze %dma_wait3A_328 : memref<1x128x128xf32, #tpu.memory_space<vmem>> -> memref<128x128xf32, #tpu.memory_space<vmem>>
    %dma_wait3A_330 = arith.constant 0 : i32
    %dma_wait3A_331 = arith.constant 0 : i32
    %dma_wait3A_332 = tpu.memref_slice %arg4[%dma_wait3A_324, %dma_wait3A_330, %dma_wait3A_331] : memref<50x4096x128xf32, #tpu.memory_space<hbm>> -> memref<1x128x128xf32, #tpu.memory_space<hbm>>
    %dma_wait3A_333 = tpu.memref_squeeze %dma_wait3A_332 : memref<1x128x128xf32, #tpu.memory_space<hbm>> -> memref<128x128xf32, #tpu.memory_space<hbm>>
    %dma_wait3A_334 = tpu.memref_slice %arg8[%dma_wait3A_325] : memref<5x!tpu.dma_semaphore, #tpu.memory_space<semaphore_mem>> -> memref<1x!tpu.dma_semaphore, #tpu.memory_space<semaphore_mem>>
    %dma_wait3A_335 = tpu.memref_squeeze %dma_wait3A_334 : memref<1x!tpu.dma_semaphore, #tpu.memory_space<semaphore_mem>> -> memref<!tpu.dma_semaphore, #tpu.memory_space<semaphore_mem>>
    %dma_wait3A_336 = arith.constant 0 : i32
    %dma_wait3A_337 = arith.constant 0 : i32
    %dma_wait3A_338 = tpu.memref_slice %arg4[%dma_wait3A_324, %dma_wait3A_336, %dma_wait3A_337] : memref<50x4096x128xf32, #tpu.memory_space<hbm>> -> memref<1x128x128xf32, #tpu.memory_space<hbm>>
    %dma_wait3A_339 = tpu.memref_squeeze %dma_wait3A_338 : memref<1x128x128xf32, #tpu.memory_space<hbm>> -> memref<128x128xf32, #tpu.memory_space<hbm>>
    %dma_wait3A_340 = arith.constant 0 : i32
    %dma_wait3A_341 = arith.constant 0 : i32
    %dma_wait3A_342 = tpu.memref_slice %arg6[%dma_wait3A_323, %dma_wait3A_340, %dma_wait3A_341] : memref<5x128x128xf32, #tpu.memory_space<vmem>> -> memref<1x128x128xf32, #tpu.memory_space<vmem>>
    %dma_wait3A_343 = tpu.memref_squeeze %dma_wait3A_342 : memref<1x128x128xf32, #tpu.memory_space<vmem>> -> memref<128x128xf32, #tpu.memory_space<vmem>>
    tpu.wait_dma2 semaphore(%dma_wait3A_335 : memref<!tpu.dma_semaphore, #tpu.memory_space<semaphore_mem>>) src(%dma_wait3A_343 : memref<128x128xf32, #tpu.memory_space<vmem>>) dst(%dma_wait3A_339 : memref<128x128xf32, #tpu.memory_space<hbm>>)
    %dma_wait3A_344 = arith.constant 3 : i32
    %dma_wait3A_345 = arith.constant 0 : i32
    %dma_wait3A_346 = arith.constant 3 : i32
    %dma_wait3A_347 = arith.constant 0 : i32
    %dma_wait3A_348 = arith.constant 0 : i32
    %dma_wait3A_349 = tpu.memref_slice %arg6[%dma_wait3A_344, %dma_wait3A_347, %dma_wait3A_348] : memref<5x128x128xf32, #tpu.memory_space<vmem>> -> memref<1x128x128xf32, #tpu.memory_space<vmem>>
    %dma_wait3A_350 = tpu.memref_squeeze %dma_wait3A_349 : memref<1x128x128xf32, #tpu.memory_space<vmem>> -> memref<128x128xf32, #tpu.memory_space<vmem>>
    %dma_wait3A_351 = arith.constant 0 : i32
    %dma_wait3A_352 = arith.constant 0 : i32
    %dma_wait3A_353 = tpu.memref_slice %arg4[%dma_wait3A_345, %dma_wait3A_351, %dma_wait3A_352] : memref<50x4096x128xf32, #tpu.memory_space<hbm>> -> memref<1x128x128xf32, #tpu.memory_space<hbm>>
    %dma_wait3A_354 = tpu.memref_squeeze %dma_wait3A_353 : memref<1x128x128xf32, #tpu.memory_space<hbm>> -> memref<128x128xf32, #tpu.memory_space<hbm>>
    %dma_wait3A_355 = tpu.memref_slice %arg8[%dma_wait3A_346] : memref<5x!tpu.dma_semaphore, #tpu.memory_space<semaphore_mem>> -> memref<1x!tpu.dma_semaphore, #tpu.memory_space<semaphore_mem>>
    %dma_wait3A_356 = tpu.memref_squeeze %dma_wait3A_355 : memref<1x!tpu.dma_semaphore, #tpu.memory_space<semaphore_mem>> -> memref<!tpu.dma_semaphore, #tpu.memory_space<semaphore_mem>>
    %dma_wait3A_357 = arith.constant 0 : i32
    %dma_wait3A_358 = arith.constant 0 : i32
    %dma_wait3A_359 = tpu.memref_slice %arg4[%dma_wait3A_345, %dma_wait3A_357, %dma_wait3A_358] : memref<50x4096x128xf32, #tpu.memory_space<hbm>> -> memref<1x128x128xf32, #tpu.memory_space<hbm>>
    %dma_wait3A_360 = tpu.memref_squeeze %dma_wait3A_359 : memref<1x128x128xf32, #tpu.memory_space<hbm>> -> memref<128x128xf32, #tpu.memory_space<hbm>>
    %dma_wait3A_361 = arith.constant 0 : i32
    %dma_wait3A_362 = arith.constant 0 : i32
    %dma_wait3A_363 = tpu.memref_slice %arg6[%dma_wait3A_344, %dma_wait3A_361, %dma_wait3A_362] : memref<5x128x128xf32, #tpu.memory_space<vmem>> -> memref<1x128x128xf32, #tpu.memory_space<vmem>>
    %dma_wait3A_364 = tpu.memref_squeeze %dma_wait3A_363 : memref<1x128x128xf32, #tpu.memory_space<vmem>> -> memref<128x128xf32, #tpu.memory_space<vmem>>
    tpu.wait_dma2 semaphore(%dma_wait3A_356 : memref<!tpu.dma_semaphore, #tpu.memory_space<semaphore_mem>>) src(%dma_wait3A_364 : memref<128x128xf32, #tpu.memory_space<vmem>>) dst(%dma_wait3A_360 : memref<128x128xf32, #tpu.memory_space<hbm>>)
    %dma_wait3A_365 = arith.constant 4 : i32
    %dma_wait3A_366 = arith.constant 0 : i32
    %dma_wait3A_367 = arith.constant 4 : i32
    %dma_wait3A_368 = arith.constant 0 : i32
    %dma_wait3A_369 = arith.constant 0 : i32
    %dma_wait3A_370 = tpu.memref_slice %arg6[%dma_wait3A_365, %dma_wait3A_368, %dma_wait3A_369] : memref<5x128x128xf32, #tpu.memory_space<vmem>> -> memref<1x128x128xf32, #tpu.memory_space<vmem>>
    %dma_wait3A_371 = tpu.memref_squeeze %dma_wait3A_370 : memref<1x128x128xf32, #tpu.memory_space<vmem>> -> memref<128x128xf32, #tpu.memory_space<vmem>>
    %dma_wait3A_372 = arith.constant 0 : i32
    %dma_wait3A_373 = arith.constant 0 : i32
    %dma_wait3A_374 = tpu.memref_slice %arg4[%dma_wait3A_366, %dma_wait3A_372, %dma_wait3A_373] : memref<50x4096x128xf32, #tpu.memory_space<hbm>> -> memref<1x128x128xf32, #tpu.memory_space<hbm>>
    %dma_wait3A_375 = tpu.memref_squeeze %dma_wait3A_374 : memref<1x128x128xf32, #tpu.memory_space<hbm>> -> memref<128x128xf32, #tpu.memory_space<hbm>>
    %dma_wait3A_376 = tpu.memref_slice %arg8[%dma_wait3A_367] : memref<5x!tpu.dma_semaphore, #tpu.memory_space<semaphore_mem>> -> memref<1x!tpu.dma_semaphore, #tpu.memory_space<semaphore_mem>>
    %dma_wait3A_377 = tpu.memref_squeeze %dma_wait3A_376 : memref<1x!tpu.dma_semaphore, #tpu.memory_space<semaphore_mem>> -> memref<!tpu.dma_semaphore, #tpu.memory_space<semaphore_mem>>
    %dma_wait3A_378 = arith.constant 0 : i32
    %dma_wait3A_379 = arith.constant 0 : i32
    %dma_wait3A_380 = tpu.memref_slice %arg4[%dma_wait3A_366, %dma_wait3A_378, %dma_wait3A_379] : memref<50x4096x128xf32, #tpu.memory_space<hbm>> -> memref<1x128x128xf32, #tpu.memory_space<hbm>>
    %dma_wait3A_381 = tpu.memref_squeeze %dma_wait3A_380 : memref<1x128x128xf32, #tpu.memory_space<hbm>> -> memref<128x128xf32, #tpu.memory_space<hbm>>
    %dma_wait3A_382 = arith.constant 0 : i32
    %dma_wait3A_383 = arith.constant 0 : i32
    %dma_wait3A_384 = tpu.memref_slice %arg6[%dma_wait3A_365, %dma_wait3A_382, %dma_wait3A_383] : memref<5x128x128xf32, #tpu.memory_space<vmem>> -> memref<1x128x128xf32, #tpu.memory_space<vmem>>
    %dma_wait3A_385 = tpu.memref_squeeze %dma_wait3A_384 : memref<1x128x128xf32, #tpu.memory_space<vmem>> -> memref<128x128xf32, #tpu.memory_space<vmem>>
    tpu.wait_dma2 semaphore(%dma_wait3A_377 : memref<!tpu.dma_semaphore, #tpu.memory_space<semaphore_mem>>) src(%dma_wait3A_385 : memref<128x128xf32, #tpu.memory_space<vmem>>) dst(%dma_wait3A_381 : memref<128x128xf32, #tpu.memory_space<hbm>>)
    return
  }
}

</mosaic_0001>

<sc_bundles>
// kernel: kernel.3.cloned.1.call-start
scs
__scs_entry_jumppad:
0x0: {  	(pc) =	sbr.rel $0x88, $3  }
0x1: {  	(tag) =	ssettag $0x0;
	lr =	simm.s32 $0x1  }
0x2: {  	[smem:$0x3F9F] =	sst lr;
	_ =	strace $0xD0000000  }
0x3: {  	_ = 	snop  }
0x4: {  	_ = 	snop  }
0x5: {  	_ = 	snop  }
0x6: {  	_ = 	snop  }
0x7: {  	_ = 	snop  }
__scs_overlays_trampoline_lowered:
0x8: {  	[smem:$0x3FAE] =	sst s0  }
0x9: {  	[smem:$0x3FAF] =	sst s1  }
0xa: {  	[smem:$0x3FB0] =	sst s2  }
0xb: {  	[smem:$0x3FB1] =	sst s3  }
0xc: {  	[smem:$0x3FB2] =	sst s4  }
0xd: {  	[smem:$0x3FB3] =	sst s5  }
0xe: {  	[smem:$0x3FB4] =	sst s6  }
0xf: {  	[smem:$0x3FB5] =	sst s7  }
0x10: {  	[smem:$0x3FB6] =	sst s8  }
0x11: {  	[smem:$0x3FB7] =	sst s9;
	s0 =	simm.s32 @!p0 $0x0  }
0x12: {  	s1 =	sld [smem:$0x3F9D];
	s0 =	simm.s32 @p0 $0x1  }
0x13: {  	[smem:$0x3FB8] =	sst s0;
	s0 =	simm.s32 @!p1 $0x0  }
0x14: {  	s2 =	sld [smem:$0x3F9C];
	s0 =	simm.s32 @p1 $0x1  }
0x15: {  	[smem:$0x3FB9] =	sst s0;
	s0 =	simm.s32 @!p2 $0x0  }
0x16: {  	s3 =	sld [smem:$0x3FDB];
	s0 =	simm.s32 @p2 $0x1  }
0x17: {  	s4 =	simm.s32 $0x1BF5;
	[smem:$0x3FBB] =	sst s0  }
0x18: {  	s0 =	sld [smem:$0x3F9E];
	_ =	swait.ge [sflag:s4], $0x0  }
0x19: {  	s7 =	sld [smem:$0x3F9F]  }
0x1a: {  	s8 =	sadd.s32 $0xFFFFE003, lr  }
0x1b: {  	s9 =	sadd.s32 $0xFFFFFEF7, lr;
	s5 =	simm.s32 $0xFFFFFFFF;
	p2 =	slt.u32 s8, $0xFFFFF086  }
0x1c: {  	p1 =	slt.u32 s9, $0xF7A;
	s5 =	simm.s32 @!p2 $0x0  }
0x1d: {  	s5 =	simm.s32 @p1 $0x1;
	p0 =	seq.s32 s7, s2  }
0x1e: {  	s7 =	smul.u32 @!p0 $0xF7A, s2;
	p2 =	seq.s32 @!p0 s5, $0x0  }
0x1f: {  	s9 =	smul.u32 $0xF7A, s1;
	s8 =	simm.s32 @!p0 $0x1BF5;
	p2 =	por !p2, p0  }
0x20: {  	[sflag:s8] =	ssyncset.s32 @!p0 $0xFFFFF086;
	s6 =	sadd.s32 @!p0 s3, s7;
	s7 =	simm.s32 @!p0 $0x108  }
0x21: {  	s3 =	sadd.s32 s3, s9;
	s6 =	sadd.s32 @!p0 $0x88, s6;
	s7 =	simm.s32 @p2 $0x1082  }
0x22: {  	[simem:s7], [sflag:s8] =	dma.local @!p0 [hbm:s6], $0xF7A  }
0x23: {  	s9 =	sor.u32 $0xD0000000, s2;
	s6 =	simm.s32 $0x108;
	_ =	swait.ge @!p0 [sflag:s8], $0x0  }
0x24: {  	s3 =	sadd.s32 $0x88, s3;
	s6 =	simm.s32 @!p1 $0x1082;
	[sflag:s4] =	ssyncset.s32 $0xFFFFF086  }
0x25: {  	[simem:s6], [sflag:s4] =	dma.local [hbm:s3], $0xF7A  }
0x26: {  	[smem:$0x3F9F] =	sst s1;
	(tag) =	ssettag s2;
	_ =	strace s9  }
0x27: {  	s1 =	sld [smem:$0x3FAF]  }
0x28: {  	s2 =	sld [smem:$0x3FB0]  }
0x29: {  	s4 =	sld [smem:$0x3FB2]  }
0x2a: {  	p0 =	seq.s32 s5, $0x0;
	s5 =	sld [smem:$0x3FB3]  }
0x2b: {  	s6 =	sld [smem:$0x3FB4]  }
0x2c: {  	s7 =	sld [smem:$0x3FB5]  }
0x2d: {  	s3 =	simm.s32 $0x108;
	s8 =	sld [smem:$0x3FB6]  }
0x2e: {  	s3 =	simm.s32 @!p0 $0x1082;
	s9 =	sld [smem:$0x3FB7]  }
0x2f: {  	lr =	sadd.s32 s0, s3;
	s0 =	sld [smem:$0x3FAE]  }
0x30: {  	s3 =	sld [smem:$0x3FB1]  }
0x31: {  	[smem:$0x3FBA] =	sst s10  }
0x32: {  	s10 =	sld [smem:$0x3FB8];
	_ =	sdelay $0x3  }
0x33: {  	p0 =	seq.s32 s10, $0x1;
	s10 =	sld [smem:$0x3FBA];
	_ =	sdelay $0x3  }
0x34: {  	[smem:$0x3FBA] =	sst s10  }
0x35: {  	s10 =	sld [smem:$0x3FB9];
	_ =	sdelay $0x3  }
0x36: {  	p1 =	seq.s32 s10, $0x1;
	s10 =	sld [smem:$0x3FBA];
	_ =	sdelay $0x3  }
0x37: {  	[smem:$0x3FBA] =	sst s10  }
0x38: {  	s10 =	sld [smem:$0x3FBB]  }
0x39: {  	_ = 	snop;
	(pc) =	sbr.ind lr, $3  }
0x3a: {  	_ = 	snop  }
0x3b: {  	_ = 	snop  }
0x3c: {  	p2 =	seq.s32 s10, $0x1;
	s10 =	sld [smem:$0x3FBA]  }
0x3d: {  	_ =	shalt  }
0x3e: {  	_ =	shalt  }
0x3f: {  	_ =	shalt  }
0x40: {  	_ =	shalt  }
0x41: {  	_ =	shalt  }
0x42: {  	_ =	shalt  }
0x43: {  	_ =	shalt  }
0x44: {  	_ =	shalt  }
0x45: {  	_ =	shalt  }
0x46: {  	_ =	shalt  }
0x47: {  	_ =	shalt  }
0x48: {  	_ =	shalt  }
0x49: {  	_ =	shalt  }
0x4a: {  	_ =	shalt  }
0x4b: {  	_ =	shalt  }
0x4c: {  	_ =	shalt  }
0x4d: {  	_ =	shalt  }
0x4e: {  	_ =	shalt  }
0x4f: {  	_ =	shalt  }
0x50: {  	_ =	shalt  }
0x51: {  	_ =	shalt  }
0x52: {  	_ =	shalt  }
0x53: {  	_ =	shalt  }
0x54: {  	_ =	shalt  }
0x55: {  	_ =	shalt  }
0x56: {  	_ =	shalt  }
0x57: {  	_ =	shalt  }
0x58: {  	_ =	shalt  }
0x59: {  	_ =	shalt  }
0x5a: {  	_ =	shalt  }
0x5b: {  	_ =	shalt  }
0x5c: {  	_ =	shalt  }
0x5d: {  	_ =	shalt  }
0x5e: {  	_ =	shalt  }
0x5f: {  	_ =	shalt  }
0x60: {  	_ =	shalt  }
0x61: {  	_ =	shalt  }
0x62: {  	_ =	shalt  }
0x63: {  	_ =	shalt  }
0x64: {  	_ =	shalt  }
0x65: {  	_ =	shalt  }
0x66: {  	_ =	shalt  }
0x67: {  	_ =	shalt  }
0x68: {  	_ =	shalt  }
0x69: {  	_ =	shalt  }
0x6a: {  	_ =	shalt  }
0x6b: {  	_ =	shalt  }
0x6c: {  	_ =	shalt  }
0x6d: {  	_ =	shalt  }
0x6e: {  	_ =	shalt  }
0x6f: {  	_ =	shalt  }
0x70: {  	_ =	shalt  }
0x71: {  	_ =	shalt  }
0x72: {  	_ =	shalt  }
0x73: {  	_ =	shalt  }
0x74: {  	_ =	shalt  }
0x75: {  	_ =	shalt  }
0x76: {  	_ =	shalt  }
0x77: {  	_ =	shalt  }
0x78: {  	_ =	shalt  }
0x79: {  	_ =	shalt  }
0x7a: {  	_ =	shalt  }
0x7b: {  	_ =	shalt  }
0x7c: {  	_ =	shalt  }
0x7d: {  	_ =	shalt  }
0x7e: {  	_ =	shalt  }
0x7f: {  	_ =	shalt  }
0x80: {  	_ =	shalt  }
0x81: {  	_ =	shalt  }
0x82: {  	_ =	shalt  }
0x83: {  	_ =	shalt  }
0x84: {  	_ =	shalt  }
0x85: {  	_ =	shalt  }
0x86: {  	_ =	shalt  }
0x87: {  	_ =	shalt  }
.Lfunc_end0:
.L_simem_size_0:
called_computation_lowered:
.L_overlay_start_0:
0x88: {  	s2 =	sld [smem:$0x3FD9]  }
0x89: {  	s3 =	sld [smem:$0x3FFE];
	_ =	sdelay $0x1  }
0x8a: {  	s1 =	srdreg.scid  }
0x8b: {  	s0 =	sand.u32 $0x1, s1  }
0x8c: {  	s18 =	sshll.u32 s0, $0xA;
	s2 =	sadd.s32 s3, s2  }
0x8d: {  	s2 =	sadd.s32 s2, s18  }
0x8e: {  	[smem:$0x3FC6] =	sst s2  }
0x8f: {  	_ = 	snop  }
0x90: {  	s2 =	sld [smem:$0x3FC9]  }
0x91: {  	s19 =	sld [smem:$0x3FC8]  }
0x92: {  	s4 =	sld [smem:$0x3FD0];
	(tm) =	ssettm $0x1  }
0x93: {  	s5 =	sld [smem:$0x3FFB];
	_ =	sdelay $0x3  }
0x94: {  	_ =	strace s5  }
0x95: {  	s5 =	sld [smem:$0x3FFC];
	_ =	sdelay $0x3  }
0x96: {  	_ =	strace s5  }
0x97: {  	s5 =	sld [smem:$0x3FFD];
	_ =	sdelay $0x3  }
0x98: {  	_ =	strace s5  }
0x99: {  	_ =	strace $0x8FFFFFFF  }
0x9a: {  	s20 =	sld [smem:$0x3FDB];
	_ =	sdelay $0x1  }
0x9b: {  	s6 =	simm.s32 $_scs_section_size  }
0x9c: {  	s7 =	simm.s32 $_size__tile_overlayer_lowered;
	s8 =	simm.s32 $_tile_overlayer_lowered  }
0x9d: {  	s23 =	simm.s32 $0x1BFF;
	s22 =	sshll.u32 s8, $0x1;
	s5 =	sadd.s32 s6, s20  }
0x9e: {  	s9 =	simm.s32 $0x0;
	s21 =	sshll.u32 s7, $0x1;
	s7 =	sadd.s32 s22, s5  }
0x9f: {  	[timem:s9], [sflag:s23] =	dma.local [hbm:s7], s21  }
0xa0: {  	_ =	swait.ge [sflag:s23], s21  }
0xa1: {  	s6 =	ssub.s32 $0x0, s21;
	[sflag:s23] =	ssyncset.done $0x0  }
0xa2: {  	[sflag:s23] =	ssyncadd.s32 s6;
	_ =	sdelay $0x1  }
0xa3: {  	s24 =	simm.s32 $0x1B8B  }
0xa4: {  	_ =	swait.ge [sflag:s24], $0x1  }
0xa5: {  	[sflag:s24] =	ssyncset.done $0x0  }
0xa6: {  	s25 =	simm.s32 $0x1B8E;
	[sflag:s24] =	ssyncadd.s32 $0xFFFFFFFF  }
0xa7: {  	s26 =	simm.s32 $execute0_lowered;
	[smem:$0x3FD2] =	sst s25  }
0xa8: {  	s6 =	sshll.u32 s26, $0x1;
	_ =	strace $0x80000046;
	[dreg:$0x1] =	wrdreg $0xFFFFFFFF  }
0xa9: {  	s28 =	simm.s32 $_size_execute0_lowered;
	s5 =	sadd.s32 s5, s6;
	[dreg:$0x0] =	wrdreg $0x0  }
0xaa: {  	s6 =	sshll.u32 s28, $0x1;
	[dreg:$0x2] =	wrdreg s5  }
0xab: {  	[dreg:$0x3] =	wrdreg s6  }
0xac: {  	[dreg:$0x4] =	wrdreg $0xC0  }
0xad: {  	_ =	task [dreg:s9], $0x5FFFF  }
0xae: {  	[dreg:$0x1] =	wrdreg $0xFFFFFFFF  }
0xaf: {  	[dreg:$0x0] =	wrdreg $0x60  }
0xb0: {  	[dreg:$0x2] =	wrdreg s2  }
0xb1: {  	[dreg:$0x3] =	wrdreg s19  }
0xb2: {  	[dreg:$0x4] =	wrdreg s4  }
0xb3: {  	[dreg:$0x5] =	wrdreg $0x9  }
0xb4: {  	_ =	task.clear_ibuf [dreg:s9], $0x6FFFF;
	_ =	strace $0x90000046  }
0xb5: {  	s29 =	simm.s32 $0x9;
	_ =	strace $0x80000048  }
0xb6: {  	_ =	swait.ge [sflag:s29], $0x1  }
0xb7: {  	[sflag:s29] =	ssyncadd.s32 $0xFFFFFFFF  }
0xb8: {  	_ =	strace $0x90000048  }
0xb9: {  	_ =	sfence  }
0xba: {  	s30 =	sld [smem:$0x0];
	_ =	sdelay $0x2  }
0xbb: {  	s31 =	sshll.u32 s1, $0xD;
	s1 =	sshrl.u32 s1, $0x2  }
0xbc: {  	s3 =	sand.u32 $0x4000, s31;
	s1 =	sadd.s32 s1, s30  }
0xbd: {  	s0 =	sor.u32 s3, s0;
	s1 =	sshll.u32 s1, $0x11  }
0xbe: {  	s0 =	sor.u32 s1, s0  }
0xbf: {  	s0 =	sadd.s32 $0x8F2B, s0  }
0xc0: {  	[sflag:s0] =	ssyncadd.remote.s32 $0x1  }
0xc1: {  	_ =	sfence.sel $0xFFFF  }
0xc2: {  	[dreg:$0x0] =	wrdreg $0xFFFFFFFF;
	(pc) =	sbr.abs _section_cstart, $3  }
0xc3: {  	[dreg:$0x1] =	wrdreg $0xFFFFFFFF  }
0xc4: {  	_ =	task.clear_ibuf [dreg:s9], $0x2FFFF;
	_ =	strace $0x9FFFFFFF  }
0xc5: {  	(tm) =	ssettm $0x7FFFFFFF  }
tec
execute0_lowered:
.L_overlay_start_1:
0x0: {  	(tag) =	ssettag $0x1  }
0x1: {  	s0 =	rddreg [dreg:$0x0]  }
0x2: {  	s2 =	rddreg [dreg:$0x1]  }
0x3: {  	s1 =	rddreg [dreg:$0x2]  }
0x4: {  	s3 =	srdreg.scid;
	s8 =	stileid.u32  }
0x5: {  	s28 =	simm.s32 $0xDC00;
	s30 =	simm.s32 $0x11C00;
	s31 =	simm.s32 $0x1  }
0x6: {  	s29 =	simm.s32 $0x9;
	s4 =	sand.u32 $0x1, s3;
	s3 =	simm.s32 $0x0  }
0x7: {  	s5 =	sshll.u32 s8, $0x8;
	s15 =	sshll.u32 s8, $0xF;
	s6 =	sshll.u32 s4, $0x7  }
0x8: {  	[smem:$0x7FF] =	sst s3;
	s7 =	ssub.s32 $0x2, s4;
	s4 =	sshll.u32 s4, $0xE  }
0x9: {  	s5 =	sor.u32 s6, s5;
	_ =	strace $0x80000047;
	s12 =	sshrl.u32 s7, $0x1  }
0xa: {  	s4 =	sor.u32 s4, s15;
	s6 =	simm.s32 $0x0;
	s9 =	sadd.s32 s0, s5  }
0xb: {  	s13 =	ssub.s32 s7, s12;
	s5 =	sshll.u32 s5, $0x4;
	s20 =	sor.u32 $0x200000, s4  }
0xc: {  	s22 =	sor.u32 $0x180000, s4;
	s25 =	sor.u32 $0x100000, s4;
	s26 =	sor.u32 $0x80000, s4  }
0xd: {  	s4 =	sshrl.u32 s4, $0x3;
	[dreg:$0x4] =	wrdreg s9;
	s14 =	sadd.s32 $0x6000, s9  }
0xe: {  	s5 =	sadd.s32 s5, s1;
	s0 =	smax.u32 s13, $0x1;
	[dreg:$0x5] =	wrdreg s14  }
0xf: {  	s21 =	sshrl.u32 s20, $0x3;
	s16 =	sadd.s32 $0x2D0000, s5;
	[dreg:$0xb] =	wrdreg s0  }
0x10: {  	s24 =	sshrl.u32 s22, $0x3;
	s17 =	sadd.s32 $0x2E0000, s5;
	[dreg:$0x6] =	wrdreg s16  }
0x11: {  	s22 =	simm.s32 $0x1C00;
	s18 =	sadd.s32 $0x2F0000, s5;
	[dreg:$0x7] =	wrdreg s17  }
0x12: {  	s19 =	sadd.s32 $0x300000, s5;
	s5 =	sadd.s32 $0x310000, s5;
	[dreg:$0x8] =	wrdreg s18  }
0x13: {  	s23 =	sadd.s32 s21, s1;
	s13 =	sadd.s32 s24, s1;
	[dreg:$0x9] =	wrdreg s19  }
0x14: {  	s0 =	sshrl.u32 s25, $0x3;
	s21 =	simm.s32 $0x80;
	[dreg:$0xa] =	wrdreg s5  }
0x15: {  	s25 =	simm.s32 $0x9C00;
	s24 =	simm.s32 $0x7;
	[dreg:$0xc] =	wrdreg s23  }
0x16: {  	s5 =	sshrl.u32 s26, $0x3;
	s14 =	sadd.s32 s0, s1;
	s16 =	sadd.s32 s4, s1  }
0x17: {  	s23 =	simm.s32 $0x5C00;
	s0 =	simm.s32 $0x2;
	s17 =	simm.s32 $0x4  }
0x18: {  	s18 =	simm.s32 $0x5;
	s19 =	simm.s32 $0x6;
	s26 =	simm.s32 $0x8  }
0x19: {  	s15 =	sadd.s32 s5, s1;
	s1 =	simm.s32 $0x3;
	s5 =	simm.s32 $0xA  }
.LBB2_1:
0x1a: {  	s4 =	rddreg [dreg:$0x4];
	s7 =	simm.s32 $0x400;
	s8 =	simm.s32 $0x8000  }
0x1b: {  	[tilespmem:s3], [sflag:$0xB] =	stream.strided.gather [hbm4b:s4+s7], $0x1800, s8, s7, $0x38;
	[tilespmem:$0x15C00] =	vst v63  }
0x1c: {  	s10 =	rddreg [dreg:$0x5];
	s11 =	simm.s32 $0x1800;
	s12 =	simm.s32 $0xB  }
0x1d: {  	[tilespmem:s11], [sflag:$0xB] =	stream.linear.gather [hbm4b:s10+s3], $0x100, $0x38;
	[tilespmem:$0x15C00] =	vst v63  }
0x1e: {  	_ =	swait.ge [sflag:s12], $0x1900  }
0x1f: {  	[sflag:s12] =	ssyncset.done $0x0  }
0x20: {  	[sflag:s12] =	ssyncadd.s32 $0xFFFFE700  }
0x21: {  	[tilespmem:s22], [sflag:$0x1] =	stream.indirect.gather [hbm4b:s2+s21], $0x80, s3, s21, $0xb8;
	[tilespmem:$0x15C00] =	vst v63  }
0x22: {  	_ = 	snop  }
0x23: {  	[tilespmem:s23], [sflag:$0x2] =	stream.indirect.gather [hbm4b:s2+s21], $0x80, s21, s21, $0xb8;
	[tilespmem:$0x15C00] =	vst v63  }
0x24: {  	s20 =	simm.s32 $0x100  }
0x25: {  	[tilespmem:s25], [sflag:$0x3] =	stream.indirect.gather [hbm4b:s2+s21], $0x80, s20, s21, $0xb8;
	[tilespmem:$0x15C00] =	vst v63  }
0x26: {  	s7 =	simm.s32 $0x180  }
0x27: {  	[tilespmem:s28], [sflag:$0x4] =	stream.indirect.gather [hbm4b:s2+s21], $0x80, s7, s21, $0xb8;
	[tilespmem:$0x15C00] =	vst v63  }
0x28: {  	s8 =	simm.s32 $0x200  }
0x29: {  	[tilespmem:s30], [sflag:$0x5] =	stream.indirect.gather [hbm4b:s2+s21], $0x80, s8, s21, $0xb8;
	[tilespmem:$0x15C00] =	vst v63  }
0x2a: {  	_ =	swait.ge [sflag:s31], $0x4000  }
0x2b: {  	[sflag:s31] =	ssyncset.done $0x0  }
0x2c: {  	[sflag:s31] =	ssyncadd.s32 $0xFFFFC000  }
0x2d: {  	[hbm4b:s16+s3] =	stream.linear.scatter [tilespmem:s22], [sflag:$0x6], $0x4000, $0x38;
	[tilespmem:$0x15C00] =	vst v63  }
0x2e: {  	_ =	swait.ge [sflag:s0], $0x4000  }
0x2f: {  	[sflag:s0] =	ssyncset.done $0x0  }
0x30: {  	[sflag:s0] =	ssyncadd.s32 $0xFFFFC000  }
0x31: {  	[hbm4b:s15+s3] =	stream.linear.scatter [tilespmem:s23], [sflag:$0x7], $0x4000, $0x38;
	[tilespmem:$0x15C00] =	vst v63  }
0x32: {  	_ =	swait.ge [sflag:s1], $0x4000  }
0x33: {  	[sflag:s1] =	ssyncset.done $0x0  }
0x34: {  	[sflag:s1] =	ssyncadd.s32 $0xFFFFC000  }
0x35: {  	[hbm4b:s14+s3] =	stream.linear.scatter [tilespmem:s25], [sflag:$0x8], $0x4000, $0x38;
	[tilespmem:$0x15C00] =	vst v63  }
0x36: {  	_ =	swait.ge [sflag:s17], $0x4000  }
0x37: {  	[sflag:s17] =	ssyncset.done $0x0  }
0x38: {  	[sflag:s17] =	ssyncadd.s32 $0xFFFFC000  }
0x39: {  	[hbm4b:s13+s3] =	stream.linear.scatter [tilespmem:s28], [sflag:$0x9], $0x4000, $0x38;
	[tilespmem:$0x15C00] =	vst v63  }
0x3a: {  	_ =	swait.ge [sflag:s18], $0x4000  }
0x3b: {  	[sflag:s18] =	ssyncset.done $0x0  }
0x3c: {  	s11 =	rddreg [dreg:$0xc];
	[sflag:s18] =	ssyncadd.s32 $0xFFFFC000  }
0x3d: {  	[hbm4b:s11+s3] =	stream.linear.scatter [tilespmem:s30], [sflag:$0xA], $0x4000, $0x38;
	[tilespmem:$0x15C00] =	vst v63  }
0x3e: {  	_ =	swait.ge [sflag:s19], $0x4000  }
0x3f: {  	[sflag:s19] =	ssyncset.done $0x0  }
0x40: {  	s9 =	simm.s32 $0x280;
	[sflag:s19] =	ssyncadd.s32 $0xFFFFC000  }
0x41: {  	[tilespmem:s22], [sflag:$0x1] =	stream.indirect.gather [hbm4b:s2+s21], $0x80, s9, s21, $0xb8;
	[tilespmem:$0x15C00] =	vst v63  }
0x42: {  	_ =	swait.ge [sflag:s24], $0x4000  }
0x43: {  	[sflag:s24] =	ssyncset.done $0x0  }
0x44: {  	s10 =	simm.s32 $0x300;
	[sflag:s24] =	ssyncadd.s32 $0xFFFFC000  }
0x45: {  	[tilespmem:s23], [sflag:$0x2] =	stream.indirect.gather [hbm4b:s2+s21], $0x80, s10, s21, $0xb8;
	[tilespmem:$0x15C00] =	vst v63  }
0x46: {  	_ =	swait.ge [sflag:s26], $0x4000  }
0x47: {  	[sflag:s26] =	ssyncset.done $0x0  }
0x48: {  	s12 =	simm.s32 $0x380;
	[sflag:s26] =	ssyncadd.s32 $0xFFFFC000  }
0x49: {  	[tilespmem:s25], [sflag:$0x3] =	stream.indirect.gather [hbm4b:s2+s21], $0x80, s12, s21, $0xb8;
	[tilespmem:$0x15C00] =	vst v63  }
0x4a: {  	_ =	swait.ge [sflag:s29], $0x4000  }
0x4b: {  	[sflag:s29] =	ssyncset.done $0x0  }
0x4c: {  	s4 =	sadd.s32 $0x50000, s15;
	s20 =	simm.s32 $0x400;
	[sflag:s29] =	ssyncadd.s32 $0xFFFFC000  }
0x4d: {  	[tilespmem:s28], [sflag:$0x4] =	stream.indirect.gather [hbm4b:s2+s21], $0x80, s20, s21, $0xb8;
	[tilespmem:$0x15C00] =	vst v63  }
0x4e: {  	s7 =	simm.s32 $0xA00;
	s8 =	sadd.s32 $0x50000, s16;
	_ =	swait.ge [sflag:s5], $0x4000  }
0x4f: {  	s11 =	sadd.s32 $0x50000, s11;
	s9 =	sadd.s32 $0x50000, s13;
	[sflag:s5] =	ssyncset.done $0x0  }
0x50: {  	s10 =	sadd.s32 $0x50000, s14;
	s20 =	simm.s32 $0x480;
	[sflag:s5] =	ssyncadd.s32 $0xFFFFC000  }
.LBB2_2:
0x51: {  	[tilespmem:s30], [sflag:$0x5] =	stream.indirect.gather [hbm4b:s2+s21], $0x80, s20, s21, $0xb8;
	[tilespmem:$0x15C00] =	vst v63  }
0x52: {  	s20 =	smov.u32 s7  }
0x53: {  	p0 =	sne.s32 s7, $0x5000;
	s7 =	sadd.s32 $0xA00, s7;
	_ =	swait.ge [sflag:s31], $0x4000  }
0x54: {  	[sflag:s31] =	ssyncset.done $0x0  }
0x55: {  	[sflag:s31] =	ssyncadd.s32 $0xFFFFC000  }
0x56: {  	[hbm4b:s8+s3] =	stream.linear.scatter [tilespmem:s22], [sflag:$0x6], $0x4000, $0x38;
	[tilespmem:$0x15C00] =	vst v63  }
0x57: {  	_ =	swait.ge [sflag:s0], $0x4000  }
0x58: {  	[sflag:s0] =	ssyncset.done $0x0  }
0x59: {  	[sflag:s0] =	ssyncadd.s32 $0xFFFFC000  }
0x5a: {  	[hbm4b:s4+s3] =	stream.linear.scatter [tilespmem:s23], [sflag:$0x7], $0x4000, $0x38;
	[tilespmem:$0x15C00] =	vst v63  }
0x5b: {  	_ =	swait.ge [sflag:s1], $0x4000  }
0x5c: {  	[sflag:s1] =	ssyncset.done $0x0  }
0x5d: {  	[sflag:s1] =	ssyncadd.s32 $0xFFFFC000  }
0x5e: {  	[hbm4b:s10+s3] =	stream.linear.scatter [tilespmem:s25], [sflag:$0x8], $0x4000, $0x38;
	[tilespmem:$0x15C00] =	vst v63  }
0x5f: {  	_ =	swait.ge [sflag:s17], $0x4000  }
0x60: {  	[sflag:s17] =	ssyncset.done $0x0  }
0x61: {  	[sflag:s17] =	ssyncadd.s32 $0xFFFFC000  }
0x62: {  	[hbm4b:s9+s3] =	stream.linear.scatter [tilespmem:s28], [sflag:$0x9], $0x4000, $0x38;
	[tilespmem:$0x15C00] =	vst v63  }
0x63: {  	_ =	swait.ge [sflag:s18], $0x4000  }
0x64: {  	[sflag:s18] =	ssyncset.done $0x0  }
0x65: {  	[sflag:s18] =	ssyncadd.s32 $0xFFFFC000  }
0x66: {  	[hbm4b:s11+s3] =	stream.linear.scatter [tilespmem:s30], [sflag:$0xA], $0x4000, $0x38;
	[tilespmem:$0x15C00] =	vst v63  }
0x67: {  	_ =	swait.ge [sflag:s19], $0x4000  }
0x68: {  	s20 =	sshra.s32 s20, $0x2;
	[sflag:s19] =	ssyncset.done $0x0  }
0x69: {  	s12 =	sadd.s32 $0x280, s20;
	[sflag:s19] =	ssyncadd.s32 $0xFFFFC000  }
0x6a: {  	[tilespmem:s22], [sflag:$0x1] =	stream.indirect.gather [hbm4b:s2+s21], $0x80, s12, s21, $0xb8;
	[tilespmem:$0x15C00] =	vst v63  }
0x6b: {  	_ =	swait.ge [sflag:s24], $0x4000  }
0x6c: {  	[sflag:s24] =	ssyncset.done $0x0  }
0x6d: {  	s12 =	sadd.s32 $0x300, s20;
	[sflag:s24] =	ssyncadd.s32 $0xFFFFC000  }
0x6e: {  	[tilespmem:s23], [sflag:$0x2] =	stream.indirect.gather [hbm4b:s2+s21], $0x80, s12, s21, $0xb8;
	[tilespmem:$0x15C00] =	vst v63  }
0x6f: {  	_ =	swait.ge [sflag:s26], $0x4000  }
0x70: {  	[sflag:s26] =	ssyncset.done $0x0  }
0x71: {  	s12 =	sadd.s32 $0x380, s20;
	[sflag:s26] =	ssyncadd.s32 $0xFFFFC000  }
0x72: {  	[tilespmem:s25], [sflag:$0x3] =	stream.indirect.gather [hbm4b:s2+s21], $0x80, s12, s21, $0xb8;
	[tilespmem:$0x15C00] =	vst v63  }
0x73: {  	_ =	swait.ge [sflag:s29], $0x4000  }
0x74: {  	[sflag:s29] =	ssyncset.done $0x0  }
.Ltmp0:
0x75: {  	s12 =	sadd.s32 $0x400, s20;
	[sflag:s29] =	ssyncadd.s32 $0xFFFFC000;
	(pc) =	sbr.rel @p0 .LBB2_2-.Ltmp0, $4  }
0x76: {  	[tilespmem:s28], [sflag:$0x4] =	stream.indirect.gather [hbm4b:s2+s21], $0x80, s12, s21, $0xb8;
	[tilespmem:$0x15C00] =	vst v63  }
0x77: {  	s8 =	sadd.s32 $0x50000, s8;
	s4 =	sadd.s32 $0x50000, s4;
	_ =	swait.ge [sflag:s5], $0x4000  }
0x78: {  	s10 =	sadd.s32 $0x50000, s10;
	s9 =	sadd.s32 $0x50000, s9;
	[sflag:s5] =	ssyncset.done $0x0  }
0x79: {  	s11 =	sadd.s32 $0x50000, s11;
	s20 =	sadd.s32 $0x480, s20;
	[sflag:s5] =	ssyncadd.s32 $0xFFFFC000  }
0x7a: {  	[tilespmem:s30], [sflag:$0x5] =	stream.indirect.gather [hbm4b:s2+s21], $0x80, s20, s21, $0xb8;
	[tilespmem:$0x15C00] =	vst v63  }
0x7b: {  	_ =	swait.ge [sflag:s31], $0x4000  }
0x7c: {  	[sflag:s31] =	ssyncset.done $0x0  }
0x7d: {  	s4 =	rddreg [dreg:$0x6];
	[sflag:s31] =	ssyncadd.s32 $0xFFFFC000  }
0x7e: {  	[hbm4b:s4+s3] =	stream.linear.scatter [tilespmem:s22], [sflag:$0x6], $0x4000, $0x38;
	[tilespmem:$0x15C00] =	vst v63  }
0x7f: {  	_ =	swait.ge [sflag:s0], $0x4000  }
0x80: {  	[sflag:s0] =	ssyncset.done $0x0  }
0x81: {  	s9 =	rddreg [dreg:$0x7];
	[sflag:s0] =	ssyncadd.s32 $0xFFFFC000  }
0x82: {  	[hbm4b:s9+s3] =	stream.linear.scatter [tilespmem:s23], [sflag:$0x7], $0x4000, $0x38;
	[tilespmem:$0x15C00] =	vst v63  }
0x83: {  	_ =	swait.ge [sflag:s1], $0x4000  }
0x84: {  	[sflag:s1] =	ssyncset.done $0x0  }
0x85: {  	s10 =	rddreg [dreg:$0x8];
	[sflag:s1] =	ssyncadd.s32 $0xFFFFC000  }
0x86: {  	[hbm4b:s10+s3] =	stream.linear.scatter [tilespmem:s25], [sflag:$0x8], $0x4000, $0x38;
	[tilespmem:$0x15C00] =	vst v63  }
0x87: {  	_ =	swait.ge [sflag:s17], $0x4000  }
0x88: {  	[sflag:s17] =	ssyncset.done $0x0  }
0x89: {  	s11 =	rddreg [dreg:$0x9];
	[sflag:s17] =	ssyncadd.s32 $0xFFFFC000  }
0x8a: {  	[hbm4b:s11+s3] =	stream.linear.scatter [tilespmem:s28], [sflag:$0x9], $0x4000, $0x38;
	[tilespmem:$0x15C00] =	vst v63  }
0x8b: {  	_ =	swait.ge [sflag:s18], $0x4000  }
0x8c: {  	[sflag:s18] =	ssyncset.done $0x0  }
0x8d: {  	s12 =	rddreg [dreg:$0xa];
	[sflag:s18] =	ssyncadd.s32 $0xFFFFC000  }
0x8e: {  	[hbm4b:s12+s3] =	stream.linear.scatter [tilespmem:s30], [sflag:$0xA], $0x4000, $0x38;
	[tilespmem:$0x15C00] =	vst v63  }
0x8f: {  	_ =	swait.ge [sflag:s19], $0x4000  }
0x90: {  	[sflag:s19] =	ssyncset.done $0x0  }
0x91: {  	[sflag:s19] =	ssyncadd.s32 $0xFFFFC000  }
0x92: {  	_ =	swait.ge [sflag:s24], $0x4000  }
0x93: {  	[sflag:s24] =	ssyncset.done $0x0  }
0x94: {  	[sflag:s24] =	ssyncadd.s32 $0xFFFFC000  }
0x95: {  	_ =	swait.ge [sflag:s26], $0x4000  }
0x96: {  	[sflag:s26] =	ssyncset.done $0x0  }
0x97: {  	[sflag:s26] =	ssyncadd.s32 $0xFFFFC000  }
0x98: {  	_ =	swait.ge [sflag:s29], $0x4000  }
0x99: {  	[sflag:s29] =	ssyncset.done $0x0  }
0x9a: {  	[sflag:s29] =	ssyncadd.s32 $0xFFFFC000  }
0x9b: {  	_ =	swait.ge [sflag:s5], $0x4000  }
0x9c: {  	s6 =	sadd.s32 $0x1, s6;
	s20 =	rddreg [dreg:$0xb]  }
0x9d: {  	p0 =	sne.s32 s6, s20  }
.Ltmp1:
0x9e: {  	_ = 	snop;
	(pc) =	sbr.rel @p0 .LBB2_1-.Ltmp1, $3  }
0x9f: {  	_ =	sdelay $0x1  }
0xa0: {  	[sflag:s5] =	ssyncset.done $0x0  }
0xa1: {  	[sflag:s5] =	ssyncadd.s32 $0xFFFFC000  }
0xa2: {  	_ =	sfence.sel $0x180000  }
0xa3: {  	[bflag:$0x0] =	sbarrier.arrive $0xFFFF  }
0xa4: {  	_ =	strace $0x90000047  }
0xa5: {  	s0 =	stileid.u32;
	[bflag:$0x2] =	sbarrier.arrive $0xFFFF  }
0xa6: {  	p0 =	sne.s32 s0, $0x0;
	s0 =	rddreg [dreg:$0x3]  }
0xa7: {  	s0 =	sadd.s32 @!p0 $0x100000, s0  }
0xa8: {  	[sflag:s0] =	ssyncadd.tile.s32 @!p0 $0x1;
	_ =	shalt  }
.Lfunc_end2:
_tile_overlayer_lowered:
.L_overlay_start_2:
0xa9: {  	(tag) =	ssettag $0x2  }
0xaa: {  	s0 =	rddreg [dreg:$0x0];
	s2 =	stileid.u32  }
0xab: {  	s1 =	rddreg [dreg:$0x1];
	p0 =	sne.s32 s2, $0x0  }
0xac: {  	s3 =	rddreg [dreg:$0x2];
	[bflag:$0x3] =	sbarrier.arrive $0xFFFF;
	s2 =	simm.s32 @!p0 $0x1C0B  }
0xad: {  	[timem:s3], [sflag:s2] =	dma.local @!p0 [hbm:s0], s1  }
0xae: {  	s0 =	simm.s32 @!p0 $0xB  }
0xaf: {  	_ =	swait.ge @!p0 [sflag:s0], s1  }
0xb0: {  	s1 =	ssub.s32 @!p0 $0x0, s1;
	[sflag:s0] =	ssyncset.done @!p0 $0x0  }
0xb1: {  	[sflag:s0] =	ssyncadd.s32 @!p0 s1  }
0xb2: {  	[bflag:$0x3] =	sbarrier.arrive $0xFFFF  }
0xb3: {  	_ =	shalt  }

</sc_bundles>
